<compile_context>
chip_gen: v7x
topology: tpu7x:2x2x1
jax: 0.10.2.dev20260603
libtpu: 0.0.44.dev20260713+nightly
codegen_flags: <defaults>
</compile_context>

<pallas_src>
import functools

import jax
import jax.numpy as jnp
from jax import lax
from jax.experimental import pallas as pl
from jax.experimental.pallas import tpu as pltpu
from jax.experimental.pallas import tpu_sc as plsc

K = 512
D = 64
TB = 2048

_NC = 2
_NS = 16
_NW = _NC * _NS
_CHUNK = 128
_NBUF = 4


def _tc_body(x_ref, e_ref, idx_ref, loss_ref):
    i = pl.program_id(0)
    x = x_ref[...]
    e2d = e_ref[...]
    s2 = lax.dot_general(x, e2d, (((1,), (1,)), ((), ())),
                         preferred_element_type=jnp.float32)
    q2 = jnp.sum(x * x, axis=1, keepdims=True)
    h = e2d * 0.5
    e2 = jnp.sum(h * h, axis=1)[None, :]
    d2 = (q2 + e2) - s2
    dist = jnp.sqrt(jnp.maximum(d2, 0.0))
    m = jnp.min(dist, axis=1)
    idx_ref[...] = jnp.argmin(dist, axis=1).astype(jnp.int32)
    part = jnp.sum(m * m)

    @pl.when(i == 0)
    def _():
        loss_ref[0] = 0.0

    loss_ref[0] += part


def _tc_assign(x, embed_kd):
    nt = x.shape[0]
    grid = nt // TB
    return pl.pallas_call(
        _tc_body,
        grid=(grid,),
        in_specs=[
            pl.BlockSpec((TB, D), lambda i: (i, 0)),
            pl.BlockSpec((K, D), lambda i: (0, 0)),
        ],
        out_specs=[
            pl.BlockSpec((TB,), lambda i: (i,)),
            pl.BlockSpec(memory_space=pltpu.SMEM),
        ],
        out_shape=[
            jax.ShapeDtypeStruct((nt,), jnp.int32),
            jax.ShapeDtypeStruct((1,), jnp.float32),
        ],
    )(x, embed_kd)


def _sc_gather_body(idx_hbm, table_hbm, out_hbm, idx_v, rows_v, gsem, osem):
    wid = lax.axis_index("s") * _NC + lax.axis_index("c")
    per_w = idx_hbm.shape[0] // _NW
    nch = per_w // _CHUNK
    base = pl.multiple_of(wid * per_w, _CHUNK)

    gh = [None] * nch
    wh = [None] * nch

    pltpu.sync_copy(idx_hbm.at[pl.ds(base, per_w)], idx_v)

    def _start(j):
        b = j % _NBUF
        if j - _NBUF >= 0:
            wh[j - _NBUF].wait()
        gh[j] = pltpu.async_copy(
            table_hbm.at[idx_v.at[pl.ds(j * _CHUNK, _CHUNK)]], rows_v.at[b], gsem)

    _start(0)
    for j in range(nch):
        if j + 1 < nch:
            _start(j + 1)
        gh[j].wait()
        off = pl.multiple_of(base + j * _CHUNK, _CHUNK)
        wh[j] = pltpu.async_copy(rows_v.at[j % _NBUF],
                                 out_hbm.at[pl.ds(off, _CHUNK)], osem)
    for j in range(max(0, nch - _NBUF), nch):
        wh[j].wait()


def _sc_gather(idx_flat, embed):
    mesh = plsc.VectorSubcoreMesh(core_axis_name="c", subcore_axis_name="s")
    fn = pl.kernel(
        _sc_gather_body,
        out_type=jax.ShapeDtypeStruct((idx_flat.shape[0], D), jnp.float32),
        mesh=mesh,
        scratch_types=[
            pltpu.VMEM((idx_flat.shape[0] // _NW,), jnp.int32),
            pltpu.VMEM((_NBUF, _CHUNK, D), jnp.float32),
            pltpu.SemaphoreType.DMA,
            pltpu.SemaphoreType.DMA,
        ],
        compiler_params=pltpu.CompilerParams(use_tc_tiling_on_sc=False),
    )
    return fn(idx_flat, embed)


def kernel(enc, embed):
    B, C, H, W = enc.shape
    x = enc.reshape(-1, D)
    nt = x.shape[0]
    idx_flat, la = _tc_assign(x, embed + embed)
    quant_out = _sc_gather(idx_flat, embed).reshape(B, C, H, W)
    closest = idx_flat.reshape(B, (C * H * W) // D)
    loss = la[0] * (2.0 / (nt * D))
    return (quant_out, loss, closest)

# --- scband reference (transcript-rebuilt; emitter-appended) ---
"""Pipeline reference for scband-quantize-3204045602891 (READ-ONLY COPY).

The authoritative reference and input builder live on the scoring server;
editing this copy changes nothing except your own understanding.
"""

import jax, jax.numpy as jnp
import numpy as np

K = 512
D = 64

def setup_inputs(seed: int = 0) -> dict:
    key = jax.random.key(seed)
    k1, k2 = jax.random.split(key)
    enc = jax.random.normal(k1, (32, 64, 32, 32), dtype=jnp.float32)
    embed = jax.random.normal(k2, (K, D), dtype=jnp.float32)
    return {"enc": enc, "embed": embed}

def reference(enc, embed):
    B, C, H, W = enc.shape
    Kc, Dc = embed.shape
    # torch: enc.view(B, -1, C) -> plain row-major reshape
    quant_input = enc.reshape(B, -1, C)
    # cdist (euclidean) between quant_input [B, N, D] and codebook [K, D]
    q2 = jnp.sum(quant_input * quant_input, axis=-1, keepdims=True)   # [B, N, 1]
    e2 = jnp.sum(embed * embed, axis=-1)                               # [K]
    d2 = q2 + e2[None, None, :] - 2.0 * jnp.einsum('bnd,kd->bnk', quant_input, embed)
    dists = jnp.sqrt(jnp.maximum(d2, 0.0))
    closest = jnp.argmin(dists, axis=-1)                               # [B, N]
    quantized = jnp.take(embed, closest, axis=0)                       # [B, N, D]
    enc2 = enc.reshape(B, -1, Dc)
    commitment_loss = jnp.mean((jax.lax.stop_gradient(quantized) - enc2) ** 2)
    codebook_loss = jnp.mean((quantized - jax.lax.stop_gradient(enc2)) ** 2)
    quantize_loss = codebook_loss + 1.0 * commitment_loss
    quant_out = enc2 + jax.lax.stop_gradient(quantized - enc2)
    quant_out = quant_out.reshape(B, C, H, W)
    return (quant_out, quantize_loss, closest)

if __name__ == "__main__":
    import jax
    _d = setup_inputs()
    print(jax.jit(kernel)(*tuple(_d.values())))

</pallas_src>

<mosaic_0001>
#map = affine_map<(d0, d1) -> (0)>
#map1 = affine_map<(d0, d1) -> (0, 0)>
module attributes {stable_mosaic.version = 14 : i64} {
  func.func @_sc_gather_body(%arg0: i32, %arg1: i32, %arg2: memref<32768xi32, #tpu.memory_space<hbm>>, %arg3: memref<512x64xf32, #tpu.memory_space<hbm>>, %arg4: memref<32768x64xf32, #tpu.memory_space<hbm>>, %arg5: memref<1024xi32, #tpu.memory_space<vmem>>, %arg6: memref<4x128x64xf32, #tpu.memory_space<vmem>>, %arg7: memref<!tpu.dma_semaphore, #tpu.memory_space<semaphore_mem>>, %arg8: memref<!tpu.dma_semaphore, #tpu.memory_space<semaphore_mem>>) attributes {dimension_semantics = [#tpu.dimension_semantics<core_parallel>, #tpu.dimension_semantics<subcore_parallel>], iteration_bounds = array<i64: 2, 16>, scalar_prefetch = 0 : i64, scratch_operands = 4 : i64, tpu.core_type = #tpu.core_type<sc_vector_subcore>, window_params = [{transform_indices = #map}, {transform_indices = #map1}, {transform_indices = #map1}]} {
    %mul3A = arith.constant 2 : i32
    %mul3A_0 = arith.muli %arg1, %mul3A : i32
    %add3A = arith.addi %mul3A_0, %arg0 : i32
    %mul3A_1 = arith.constant 1024 : i32
    %mul3A_2 = arith.muli %add3A, %mul3A_1 : i32
    %multiple_of3A = tpu.assume_multiple %mul3A_2, 128 : i32
    "tpu.region"() ({
      %run_scoped3A = tpu.sem_alloc : memref<!tpu.dma_semaphore, #tpu.memory_space<semaphore_mem>>
      %dma_start3A_393 = tpu.memref_slice %arg2[%multiple_of3A] : memref<32768xi32, #tpu.memory_space<hbm>> -> memref<1024xi32, #tpu.memory_space<hbm>>
      %dma_start3A_394 = tpu.memref_slice %arg2[%multiple_of3A] : memref<32768xi32, #tpu.memory_space<hbm>> -> memref<1024xi32, #tpu.memory_space<hbm>>
      tpu.enqueue_dma source(%dma_start3A_394 : memref<1024xi32, #tpu.memory_space<hbm>>) target(%arg5 : memref<1024xi32, #tpu.memory_space<vmem>>) target_semaphore(%run_scoped3A : memref<!tpu.dma_semaphore, #tpu.memory_space<semaphore_mem>>)
      %dma_wait3A_395 = tpu.memref_slice %arg2[%multiple_of3A] : memref<32768xi32, #tpu.memory_space<hbm>> -> memref<1024xi32, #tpu.memory_space<hbm>>
      %dma_wait3A_396 = tpu.memref_slice %arg2[%multiple_of3A] : memref<32768xi32, #tpu.memory_space<hbm>> -> memref<1024xi32, #tpu.memory_space<hbm>>
      tpu.wait_dma2 semaphore(%run_scoped3A : memref<!tpu.dma_semaphore, #tpu.memory_space<semaphore_mem>>) src(%dma_wait3A_396 : memref<1024xi32, #tpu.memory_space<hbm>>) dst(%arg5 : memref<1024xi32, #tpu.memory_space<vmem>>)
      tpu.yield
    }) : () -> ()
    %dma_start3A = arith.constant 0 : i32
    %dma_start3A_3 = arith.constant 0 : i32
    %dma_start3A_4 = arith.constant 0 : i32
    %dma_start3A_5 = tpu.memref_slice %arg6[%dma_start3A, %dma_start3A_3, %dma_start3A_4] : memref<4x128x64xf32, #tpu.memory_space<vmem>> -> memref<1x128x64xf32, #tpu.memory_space<vmem>>
    %dma_start3A_6 = tpu.memref_squeeze %dma_start3A_5 : memref<1x128x64xf32, #tpu.memory_space<vmem>> -> memref<128x64xf32, #tpu.memory_space<vmem>>
    %dma_start3A_7 = arith.constant 0 : i32
    %dma_start3A_8 = tpu.memref_slice %arg5[%dma_start3A_7] : memref<1024xi32, #tpu.memory_space<vmem>> -> memref<128xi32, #tpu.memory_space<vmem>>
    %dma_start3A_9 = arith.constant 0 : i32
    %dma_start3A_10 = arith.constant 0 : i32
    %dma_start3A_11 = tpu.memref_slice %arg3[%dma_start3A_9, %dma_start3A_10] : memref<512x64xf32, #tpu.memory_space<hbm>> -> memref<512x64xf32, #tpu.memory_space<hbm>>
    tpu.enqueue_indirect_dma source(%dma_start3A_11 : memref<512x64xf32, #tpu.memory_space<hbm>>) target(%dma_start3A_6 : memref<128x64xf32, #tpu.memory_space<vmem>>) offsets(%dma_start3A_8 : memref<128xi32, #tpu.memory_space<vmem>>) semaphore(%arg7 : memref<!tpu.dma_semaphore, #tpu.memory_space<semaphore_mem>>)
    %dma_start3A_12 = arith.constant 1 : i32
    %dma_start3A_13 = arith.constant 0 : i32
    %dma_start3A_14 = arith.constant 0 : i32
    %dma_start3A_15 = tpu.memref_slice %arg6[%dma_start3A_12, %dma_start3A_13, %dma_start3A_14] : memref<4x128x64xf32, #tpu.memory_space<vmem>> -> memref<1x128x64xf32, #tpu.memory_space<vmem>>
    %dma_start3A_16 = tpu.memref_squeeze %dma_start3A_15 : memref<1x128x64xf32, #tpu.memory_space<vmem>> -> memref<128x64xf32, #tpu.memory_space<vmem>>
    %dma_start3A_17 = arith.constant 128 : i32
    %dma_start3A_18 = tpu.memref_slice %arg5[%dma_start3A_17] : memref<1024xi32, #tpu.memory_space<vmem>> -> memref<128xi32, #tpu.memory_space<vmem>>
    %dma_start3A_19 = arith.constant 0 : i32
    %dma_start3A_20 = arith.constant 0 : i32
    %dma_start3A_21 = tpu.memref_slice %arg3[%dma_start3A_19, %dma_start3A_20] : memref<512x64xf32, #tpu.memory_space<hbm>> -> memref<512x64xf32, #tpu.memory_space<hbm>>
    tpu.enqueue_indirect_dma source(%dma_start3A_21 : memref<512x64xf32, #tpu.memory_space<hbm>>) target(%dma_start3A_16 : memref<128x64xf32, #tpu.memory_space<vmem>>) offsets(%dma_start3A_18 : memref<128xi32, #tpu.memory_space<vmem>>) semaphore(%arg7 : memref<!tpu.dma_semaphore, #tpu.memory_space<semaphore_mem>>)
    %dma_wait3A = arith.constant 0 : i32
    %dma_wait3A_22 = arith.constant 0 : i32
    %dma_wait3A_23 = arith.constant 0 : i32
    %dma_wait3A_24 = tpu.memref_slice %arg6[%dma_wait3A, %dma_wait3A_22, %dma_wait3A_23] : memref<4x128x64xf32, #tpu.memory_space<vmem>> -> memref<1x128x64xf32, #tpu.memory_space<vmem>>
    %dma_wait3A_25 = tpu.memref_squeeze %dma_wait3A_24 : memref<1x128x64xf32, #tpu.memory_space<vmem>> -> memref<128x64xf32, #tpu.memory_space<vmem>>
    %dma_wait3A_26 = arith.constant 0 : i32
    %dma_wait3A_27 = tpu.memref_slice %arg5[%dma_wait3A_26] : memref<1024xi32, #tpu.memory_space<vmem>> -> memref<128xi32, #tpu.memory_space<vmem>>
    %dma_wait3A_28 = arith.constant 0 : i32
    %dma_wait3A_29 = arith.constant 0 : i32
    %dma_wait3A_30 = tpu.memref_slice %arg3[%dma_wait3A_28, %dma_wait3A_29] : memref<512x64xf32, #tpu.memory_space<hbm>> -> memref<512x64xf32, #tpu.memory_space<hbm>>
    tpu.wait_indirect_dma semaphore(%arg7 : memref<!tpu.dma_semaphore, #tpu.memory_space<semaphore_mem>>) src(%dma_wait3A_30 : memref<512x64xf32, #tpu.memory_space<hbm>>) dst(%dma_wait3A_25 : memref<128x64xf32, #tpu.memory_space<vmem>>)
    %add3A_31 = arith.constant 0 : i32
    %add3A_32 = arith.addi %multiple_of3A, %add3A_31 : i32
    %multiple_of3A_33 = tpu.assume_multiple %add3A_32, 128 : i32
    %dma_start3A_34 = arith.constant 0 : i32
    %dma_start3A_35 = arith.constant 0 : i32
    %dma_start3A_36 = arith.constant 0 : i32
    %dma_start3A_37 = tpu.memref_slice %arg6[%dma_start3A_34, %dma_start3A_35, %dma_start3A_36] : memref<4x128x64xf32, #tpu.memory_space<vmem>> -> memref<1x128x64xf32, #tpu.memory_space<vmem>>
    %dma_start3A_38 = tpu.memref_squeeze %dma_start3A_37 : memref<1x128x64xf32, #tpu.memory_space<vmem>> -> memref<128x64xf32, #tpu.memory_space<vmem>>
    %dma_start3A_39 = arith.constant 0 : i32
    %dma_start3A_40 = tpu.memref_slice %arg4[%multiple_of3A_33, %dma_start3A_39] : memref<32768x64xf32, #tpu.memory_space<hbm>> -> memref<128x64xf32, #tpu.memory_space<hbm>>
    %dma_start3A_41 = arith.constant 0 : i32
    %dma_start3A_42 = tpu.memref_slice %arg4[%multiple_of3A_33, %dma_start3A_41] : memref<32768x64xf32, #tpu.memory_space<hbm>> -> memref<128x64xf32, #tpu.memory_space<hbm>>
    %dma_start3A_43 = arith.constant 0 : i32
    %dma_start3A_44 = arith.constant 0 : i32
    %dma_start3A_45 = tpu.memref_slice %arg6[%dma_start3A_34, %dma_start3A_43, %dma_start3A_44] : memref<4x128x64xf32, #tpu.memory_space<vmem>> -> memref<1x128x64xf32, #tpu.memory_space<vmem>>
    %dma_start3A_46 = tpu.memref_squeeze %dma_start3A_45 : memref<1x128x64xf32, #tpu.memory_space<vmem>> -> memref<128x64xf32, #tpu.memory_space<vmem>>
    tpu.enqueue_dma source(%dma_start3A_46 : memref<128x64xf32, #tpu.memory_space<vmem>>) target(%dma_start3A_42 : memref<128x64xf32, #tpu.memory_space<hbm>>) target_semaphore(%arg8 : memref<!tpu.dma_semaphore, #tpu.memory_space<semaphore_mem>>)
    %dma_start3A_47 = arith.constant 2 : i32
    %dma_start3A_48 = arith.constant 0 : i32
    %dma_start3A_49 = arith.constant 0 : i32
    %dma_start3A_50 = tpu.memref_slice %arg6[%dma_start3A_47, %dma_start3A_48, %dma_start3A_49] : memref<4x128x64xf32, #tpu.memory_space<vmem>> -> memref<1x128x64xf32, #tpu.memory_space<vmem>>
    %dma_start3A_51 = tpu.memref_squeeze %dma_start3A_50 : memref<1x128x64xf32, #tpu.memory_space<vmem>> -> memref<128x64xf32, #tpu.memory_space<vmem>>
    %dma_start3A_52 = arith.constant 256 : i32
    %dma_start3A_53 = tpu.memref_slice %arg5[%dma_start3A_52] : memref<1024xi32, #tpu.memory_space<vmem>> -> memref<128xi32, #tpu.memory_space<vmem>>
    %dma_start3A_54 = arith.constant 0 : i32
    %dma_start3A_55 = arith.constant 0 : i32
    %dma_start3A_56 = tpu.memref_slice %arg3[%dma_start3A_54, %dma_start3A_55] : memref<512x64xf32, #tpu.memory_space<hbm>> -> memref<512x64xf32, #tpu.memory_space<hbm>>
    tpu.enqueue_indirect_dma source(%dma_start3A_56 : memref<512x64xf32, #tpu.memory_space<hbm>>) target(%dma_start3A_51 : memref<128x64xf32, #tpu.memory_space<vmem>>) offsets(%dma_start3A_53 : memref<128xi32, #tpu.memory_space<vmem>>) semaphore(%arg7 : memref<!tpu.dma_semaphore, #tpu.memory_space<semaphore_mem>>)
    %dma_wait3A_57 = arith.constant 1 : i32
    %dma_wait3A_58 = arith.constant 0 : i32
    %dma_wait3A_59 = arith.constant 0 : i32
    %dma_wait3A_60 = tpu.memref_slice %arg6[%dma_wait3A_57, %dma_wait3A_58, %dma_wait3A_59] : memref<4x128x64xf32, #tpu.memory_space<vmem>> -> memref<1x128x64xf32, #tpu.memory_space<vmem>>
    %dma_wait3A_61 = tpu.memref_squeeze %dma_wait3A_60 : memref<1x128x64xf32, #tpu.memory_space<vmem>> -> memref<128x64xf32, #tpu.memory_space<vmem>>
    %dma_wait3A_62 = arith.constant 128 : i32
    %dma_wait3A_63 = tpu.memref_slice %arg5[%dma_wait3A_62] : memref<1024xi32, #tpu.memory_space<vmem>> -> memref<128xi32, #tpu.memory_space<vmem>>
    %dma_wait3A_64 = arith.constant 0 : i32
    %dma_wait3A_65 = arith.constant 0 : i32
    %dma_wait3A_66 = tpu.memref_slice %arg3[%dma_wait3A_64, %dma_wait3A_65] : memref<512x64xf32, #tpu.memory_space<hbm>> -> memref<512x64xf32, #tpu.memory_space<hbm>>
    tpu.wait_indirect_dma semaphore(%arg7 : memref<!tpu.dma_semaphore, #tpu.memory_space<semaphore_mem>>) src(%dma_wait3A_66 : memref<512x64xf32, #tpu.memory_space<hbm>>) dst(%dma_wait3A_61 : memref<128x64xf32, #tpu.memory_space<vmem>>)
    %add3A_67 = arith.constant 128 : i32
    %add3A_68 = arith.addi %multiple_of3A, %add3A_67 : i32
    %multiple_of3A_69 = tpu.assume_multiple %add3A_68, 128 : i32
    %dma_start3A_70 = arith.constant 1 : i32
    %dma_start3A_71 = arith.constant 0 : i32
    %dma_start3A_72 = arith.constant 0 : i32
    %dma_start3A_73 = tpu.memref_slice %arg6[%dma_start3A_70, %dma_start3A_71, %dma_start3A_72] : memref<4x128x64xf32, #tpu.memory_space<vmem>> -> memref<1x128x64xf32, #tpu.memory_space<vmem>>
    %dma_start3A_74 = tpu.memref_squeeze %dma_start3A_73 : memref<1x128x64xf32, #tpu.memory_space<vmem>> -> memref<128x64xf32, #tpu.memory_space<vmem>>
    %dma_start3A_75 = arith.constant 0 : i32
    %dma_start3A_76 = tpu.memref_slice %arg4[%multiple_of3A_69, %dma_start3A_75] : memref<32768x64xf32, #tpu.memory_space<hbm>> -> memref<128x64xf32, #tpu.memory_space<hbm>>
    %dma_start3A_77 = arith.constant 0 : i32
    %dma_start3A_78 = tpu.memref_slice %arg4[%multiple_of3A_69, %dma_start3A_77] : memref<32768x64xf32, #tpu.memory_space<hbm>> -> memref<128x64xf32, #tpu.memory_space<hbm>>
    %dma_start3A_79 = arith.constant 0 : i32
    %dma_start3A_80 = arith.constant 0 : i32
    %dma_start3A_81 = tpu.memref_slice %arg6[%dma_start3A_70, %dma_start3A_79, %dma_start3A_80] : memref<4x128x64xf32, #tpu.memory_space<vmem>> -> memref<1x128x64xf32, #tpu.memory_space<vmem>>
    %dma_start3A_82 = tpu.memref_squeeze %dma_start3A_81 : memref<1x128x64xf32, #tpu.memory_space<vmem>> -> memref<128x64xf32, #tpu.memory_space<vmem>>
    tpu.enqueue_dma source(%dma_start3A_82 : memref<128x64xf32, #tpu.memory_space<vmem>>) target(%dma_start3A_78 : memref<128x64xf32, #tpu.memory_space<hbm>>) target_semaphore(%arg8 : memref<!tpu.dma_semaphore, #tpu.memory_space<semaphore_mem>>)
    %dma_start3A_83 = arith.constant 3 : i32
    %dma_start3A_84 = arith.constant 0 : i32
    %dma_start3A_85 = arith.constant 0 : i32
    %dma_start3A_86 = tpu.memref_slice %arg6[%dma_start3A_83, %dma_start3A_84, %dma_start3A_85] : memref<4x128x64xf32, #tpu.memory_space<vmem>> -> memref<1x128x64xf32, #tpu.memory_space<vmem>>
    %dma_start3A_87 = tpu.memref_squeeze %dma_start3A_86 : memref<1x128x64xf32, #tpu.memory_space<vmem>> -> memref<128x64xf32, #tpu.memory_space<vmem>>
    %dma_start3A_88 = arith.constant 384 : i32
    %dma_start3A_89 = tpu.memref_slice %arg5[%dma_start3A_88] : memref<1024xi32, #tpu.memory_space<vmem>> -> memref<128xi32, #tpu.memory_space<vmem>>
    %dma_start3A_90 = arith.constant 0 : i32
    %dma_start3A_91 = arith.constant 0 : i32
    %dma_start3A_92 = tpu.memref_slice %arg3[%dma_start3A_90, %dma_start3A_91] : memref<512x64xf32, #tpu.memory_space<hbm>> -> memref<512x64xf32, #tpu.memory_space<hbm>>
    tpu.enqueue_indirect_dma source(%dma_start3A_92 : memref<512x64xf32, #tpu.memory_space<hbm>>) target(%dma_start3A_87 : memref<128x64xf32, #tpu.memory_space<vmem>>) offsets(%dma_start3A_89 : memref<128xi32, #tpu.memory_space<vmem>>) semaphore(%arg7 : memref<!tpu.dma_semaphore, #tpu.memory_space<semaphore_mem>>)
    %dma_wait3A_93 = arith.constant 2 : i32
    %dma_wait3A_94 = arith.constant 0 : i32
    %dma_wait3A_95 = arith.constant 0 : i32
    %dma_wait3A_96 = tpu.memref_slice %arg6[%dma_wait3A_93, %dma_wait3A_94, %dma_wait3A_95] : memref<4x128x64xf32, #tpu.memory_space<vmem>> -> memref<1x128x64xf32, #tpu.memory_space<vmem>>
    %dma_wait3A_97 = tpu.memref_squeeze %dma_wait3A_96 : memref<1x128x64xf32, #tpu.memory_space<vmem>> -> memref<128x64xf32, #tpu.memory_space<vmem>>
    %dma_wait3A_98 = arith.constant 256 : i32
    %dma_wait3A_99 = tpu.memref_slice %arg5[%dma_wait3A_98] : memref<1024xi32, #tpu.memory_space<vmem>> -> memref<128xi32, #tpu.memory_space<vmem>>
    %dma_wait3A_100 = arith.constant 0 : i32
    %dma_wait3A_101 = arith.constant 0 : i32
    %dma_wait3A_102 = tpu.memref_slice %arg3[%dma_wait3A_100, %dma_wait3A_101] : memref<512x64xf32, #tpu.memory_space<hbm>> -> memref<512x64xf32, #tpu.memory_space<hbm>>
    tpu.wait_indirect_dma semaphore(%arg7 : memref<!tpu.dma_semaphore, #tpu.memory_space<semaphore_mem>>) src(%dma_wait3A_102 : memref<512x64xf32, #tpu.memory_space<hbm>>) dst(%dma_wait3A_97 : memref<128x64xf32, #tpu.memory_space<vmem>>)
    %add3A_103 = arith.constant 256 : i32
    %add3A_104 = arith.addi %multiple_of3A, %add3A_103 : i32
    %multiple_of3A_105 = tpu.assume_multiple %add3A_104, 128 : i32
    %dma_start3A_106 = arith.constant 2 : i32
    %dma_start3A_107 = arith.constant 0 : i32
    %dma_start3A_108 = arith.constant 0 : i32
    %dma_start3A_109 = tpu.memref_slice %arg6[%dma_start3A_106, %dma_start3A_107, %dma_start3A_108] : memref<4x128x64xf32, #tpu.memory_space<vmem>> -> memref<1x128x64xf32, #tpu.memory_space<vmem>>
    %dma_start3A_110 = tpu.memref_squeeze %dma_start3A_109 : memref<1x128x64xf32, #tpu.memory_space<vmem>> -> memref<128x64xf32, #tpu.memory_space<vmem>>
    %dma_start3A_111 = arith.constant 0 : i32
    %dma_start3A_112 = tpu.memref_slice %arg4[%multiple_of3A_105, %dma_start3A_111] : memref<32768x64xf32, #tpu.memory_space<hbm>> -> memref<128x64xf32, #tpu.memory_space<hbm>>
    %dma_start3A_113 = arith.constant 0 : i32
    %dma_start3A_114 = tpu.memref_slice %arg4[%multiple_of3A_105, %dma_start3A_113] : memref<32768x64xf32, #tpu.memory_space<hbm>> -> memref<128x64xf32, #tpu.memory_space<hbm>>
    %dma_start3A_115 = arith.constant 0 : i32
    %dma_start3A_116 = arith.constant 0 : i32
    %dma_start3A_117 = tpu.memref_slice %arg6[%dma_start3A_106, %dma_start3A_115, %dma_start3A_116] : memref<4x128x64xf32, #tpu.memory_space<vmem>> -> memref<1x128x64xf32, #tpu.memory_space<vmem>>
    %dma_start3A_118 = tpu.memref_squeeze %dma_start3A_117 : memref<1x128x64xf32, #tpu.memory_space<vmem>> -> memref<128x64xf32, #tpu.memory_space<vmem>>
    tpu.enqueue_dma source(%dma_start3A_118 : memref<128x64xf32, #tpu.memory_space<vmem>>) target(%dma_start3A_114 : memref<128x64xf32, #tpu.memory_space<hbm>>) target_semaphore(%arg8 : memref<!tpu.dma_semaphore, #tpu.memory_space<semaphore_mem>>)
    %dma_wait3A_119 = arith.constant 0 : i32
    %dma_wait3A_120 = arith.constant 0 : i32
    %dma_wait3A_121 = arith.constant 0 : i32
    %dma_wait3A_122 = tpu.memref_slice %arg6[%dma_wait3A_119, %dma_wait3A_120, %dma_wait3A_121] : memref<4x128x64xf32, #tpu.memory_space<vmem>> -> memref<1x128x64xf32, #tpu.memory_space<vmem>>
    %dma_wait3A_123 = tpu.memref_squeeze %dma_wait3A_122 : memref<1x128x64xf32, #tpu.memory_space<vmem>> -> memref<128x64xf32, #tpu.memory_space<vmem>>
    %dma_wait3A_124 = arith.constant 0 : i32
    %dma_wait3A_125 = tpu.memref_slice %arg4[%multiple_of3A_33, %dma_wait3A_124] : memref<32768x64xf32, #tpu.memory_space<hbm>> -> memref<128x64xf32, #tpu.memory_space<hbm>>
    %dma_wait3A_126 = arith.constant 0 : i32
    %dma_wait3A_127 = tpu.memref_slice %arg4[%multiple_of3A_33, %dma_wait3A_126] : memref<32768x64xf32, #tpu.memory_space<hbm>> -> memref<128x64xf32, #tpu.memory_space<hbm>>
    %dma_wait3A_128 = arith.constant 0 : i32
    %dma_wait3A_129 = arith.constant 0 : i32
    %dma_wait3A_130 = tpu.memref_slice %arg6[%dma_wait3A_119, %dma_wait3A_128, %dma_wait3A_129] : memref<4x128x64xf32, #tpu.memory_space<vmem>> -> memref<1x128x64xf32, #tpu.memory_space<vmem>>
    %dma_wait3A_131 = tpu.memref_squeeze %dma_wait3A_130 : memref<1x128x64xf32, #tpu.memory_space<vmem>> -> memref<128x64xf32, #tpu.memory_space<vmem>>
    tpu.wait_dma2 semaphore(%arg8 : memref<!tpu.dma_semaphore, #tpu.memory_space<semaphore_mem>>) src(%dma_wait3A_131 : memref<128x64xf32, #tpu.memory_space<vmem>>) dst(%dma_wait3A_127 : memref<128x64xf32, #tpu.memory_space<hbm>>)
    %dma_start3A_132 = arith.constant 0 : i32
    %dma_start3A_133 = arith.constant 0 : i32
    %dma_start3A_134 = arith.constant 0 : i32
    %dma_start3A_135 = tpu.memref_slice %arg6[%dma_start3A_132, %dma_start3A_133, %dma_start3A_134] : memref<4x128x64xf32, #tpu.memory_space<vmem>> -> memref<1x128x64xf32, #tpu.memory_space<vmem>>
    %dma_start3A_136 = tpu.memref_squeeze %dma_start3A_135 : memref<1x128x64xf32, #tpu.memory_space<vmem>> -> memref<128x64xf32, #tpu.memory_space<vmem>>
    %dma_start3A_137 = arith.constant 512 : i32
    %dma_start3A_138 = tpu.memref_slice %arg5[%dma_start3A_137] : memref<1024xi32, #tpu.memory_space<vmem>> -> memref<128xi32, #tpu.memory_space<vmem>>
    %dma_start3A_139 = arith.constant 0 : i32
    %dma_start3A_140 = arith.constant 0 : i32
    %dma_start3A_141 = tpu.memref_slice %arg3[%dma_start3A_139, %dma_start3A_140] : memref<512x64xf32, #tpu.memory_space<hbm>> -> memref<512x64xf32, #tpu.memory_space<hbm>>
    tpu.enqueue_indirect_dma source(%dma_start3A_141 : memref<512x64xf32, #tpu.memory_space<hbm>>) target(%dma_start3A_136 : memref<128x64xf32, #tpu.memory_space<vmem>>) offsets(%dma_start3A_138 : memref<128xi32, #tpu.memory_space<vmem>>) semaphore(%arg7 : memref<!tpu.dma_semaphore, #tpu.memory_space<semaphore_mem>>)
    %dma_wait3A_142 = arith.constant 3 : i32
    %dma_wait3A_143 = arith.constant 0 : i32
    %dma_wait3A_144 = arith.constant 0 : i32
    %dma_wait3A_145 = tpu.memref_slice %arg6[%dma_wait3A_142, %dma_wait3A_143, %dma_wait3A_144] : memref<4x128x64xf32, #tpu.memory_space<vmem>> -> memref<1x128x64xf32, #tpu.memory_space<vmem>>
    %dma_wait3A_146 = tpu.memref_squeeze %dma_wait3A_145 : memref<1x128x64xf32, #tpu.memory_space<vmem>> -> memref<128x64xf32, #tpu.memory_space<vmem>>
    %dma_wait3A_147 = arith.constant 384 : i32
    %dma_wait3A_148 = tpu.memref_slice %arg5[%dma_wait3A_147] : memref<1024xi32, #tpu.memory_space<vmem>> -> memref<128xi32, #tpu.memory_space<vmem>>
    %dma_wait3A_149 = arith.constant 0 : i32
    %dma_wait3A_150 = arith.constant 0 : i32
    %dma_wait3A_151 = tpu.memref_slice %arg3[%dma_wait3A_149, %dma_wait3A_150] : memref<512x64xf32, #tpu.memory_space<hbm>> -> memref<512x64xf32, #tpu.memory_space<hbm>>
    tpu.wait_indirect_dma semaphore(%arg7 : memref<!tpu.dma_semaphore, #tpu.memory_space<semaphore_mem>>) src(%dma_wait3A_151 : memref<512x64xf32, #tpu.memory_space<hbm>>) dst(%dma_wait3A_146 : memref<128x64xf32, #tpu.memory_space<vmem>>)
    %add3A_152 = arith.constant 384 : i32
    %add3A_153 = arith.addi %multiple_of3A, %add3A_152 : i32
    %multiple_of3A_154 = tpu.assume_multiple %add3A_153, 128 : i32
    %dma_start3A_155 = arith.constant 3 : i32
    %dma_start3A_156 = arith.constant 0 : i32
    %dma_start3A_157 = arith.constant 0 : i32
    %dma_start3A_158 = tpu.memref_slice %arg6[%dma_start3A_155, %dma_start3A_156, %dma_start3A_157] : memref<4x128x64xf32, #tpu.memory_space<vmem>> -> memref<1x128x64xf32, #tpu.memory_space<vmem>>
    %dma_start3A_159 = tpu.memref_squeeze %dma_start3A_158 : memref<1x128x64xf32, #tpu.memory_space<vmem>> -> memref<128x64xf32, #tpu.memory_space<vmem>>
    %dma_start3A_160 = arith.constant 0 : i32
    %dma_start3A_161 = tpu.memref_slice %arg4[%multiple_of3A_154, %dma_start3A_160] : memref<32768x64xf32, #tpu.memory_space<hbm>> -> memref<128x64xf32, #tpu.memory_space<hbm>>
    %dma_start3A_162 = arith.constant 0 : i32
    %dma_start3A_163 = tpu.memref_slice %arg4[%multiple_of3A_154, %dma_start3A_162] : memref<32768x64xf32, #tpu.memory_space<hbm>> -> memref<128x64xf32, #tpu.memory_space<hbm>>
    %dma_start3A_164 = arith.constant 0 : i32
    %dma_start3A_165 = arith.constant 0 : i32
    %dma_start3A_166 = tpu.memref_slice %arg6[%dma_start3A_155, %dma_start3A_164, %dma_start3A_165] : memref<4x128x64xf32, #tpu.memory_space<vmem>> -> memref<1x128x64xf32, #tpu.memory_space<vmem>>
    %dma_start3A_167 = tpu.memref_squeeze %dma_start3A_166 : memref<1x128x64xf32, #tpu.memory_space<vmem>> -> memref<128x64xf32, #tpu.memory_space<vmem>>
    tpu.enqueue_dma source(%dma_start3A_167 : memref<128x64xf32, #tpu.memory_space<vmem>>) target(%dma_start3A_163 : memref<128x64xf32, #tpu.memory_space<hbm>>) target_semaphore(%arg8 : memref<!tpu.dma_semaphore, #tpu.memory_space<semaphore_mem>>)
    %dma_wait3A_168 = arith.constant 1 : i32
    %dma_wait3A_169 = arith.constant 0 : i32
    %dma_wait3A_170 = arith.constant 0 : i32
    %dma_wait3A_171 = tpu.memref_slice %arg6[%dma_wait3A_168, %dma_wait3A_169, %dma_wait3A_170] : memref<4x128x64xf32, #tpu.memory_space<vmem>> -> memref<1x128x64xf32, #tpu.memory_space<vmem>>
    %dma_wait3A_172 = tpu.memref_squeeze %dma_wait3A_171 : memref<1x128x64xf32, #tpu.memory_space<vmem>> -> memref<128x64xf32, #tpu.memory_space<vmem>>
    %dma_wait3A_173 = arith.constant 0 : i32
    %dma_wait3A_174 = tpu.memref_slice %arg4[%multiple_of3A_69, %dma_wait3A_173] : memref<32768x64xf32, #tpu.memory_space<hbm>> -> memref<128x64xf32, #tpu.memory_space<hbm>>
    %dma_wait3A_175 = arith.constant 0 : i32
    %dma_wait3A_176 = tpu.memref_slice %arg4[%multiple_of3A_69, %dma_wait3A_175] : memref<32768x64xf32, #tpu.memory_space<hbm>> -> memref<128x64xf32, #tpu.memory_space<hbm>>
    %dma_wait3A_177 = arith.constant 0 : i32
    %dma_wait3A_178 = arith.constant 0 : i32
    %dma_wait3A_179 = tpu.memref_slice %arg6[%dma_wait3A_168, %dma_wait3A_177, %dma_wait3A_178] : memref<4x128x64xf32, #tpu.memory_space<vmem>> -> memref<1x128x64xf32, #tpu.memory_space<vmem>>
    %dma_wait3A_180 = tpu.memref_squeeze %dma_wait3A_179 : memref<1x128x64xf32, #tpu.memory_space<vmem>> -> memref<128x64xf32, #tpu.memory_space<vmem>>
    tpu.wait_dma2 semaphore(%arg8 : memref<!tpu.dma_semaphore, #tpu.memory_space<semaphore_mem>>) src(%dma_wait3A_180 : memref<128x64xf32, #tpu.memory_space<vmem>>) dst(%dma_wait3A_176 : memref<128x64xf32, #tpu.memory_space<hbm>>)
    %dma_start3A_181 = arith.constant 1 : i32
    %dma_start3A_182 = arith.constant 0 : i32
    %dma_start3A_183 = arith.constant 0 : i32
    %dma_start3A_184 = tpu.memref_slice %arg6[%dma_start3A_181, %dma_start3A_182, %dma_start3A_183] : memref<4x128x64xf32, #tpu.memory_space<vmem>> -> memref<1x128x64xf32, #tpu.memory_space<vmem>>
    %dma_start3A_185 = tpu.memref_squeeze %dma_start3A_184 : memref<1x128x64xf32, #tpu.memory_space<vmem>> -> memref<128x64xf32, #tpu.memory_space<vmem>>
    %dma_start3A_186 = arith.constant 640 : i32
    %dma_start3A_187 = tpu.memref_slice %arg5[%dma_start3A_186] : memref<1024xi32, #tpu.memory_space<vmem>> -> memref<128xi32, #tpu.memory_space<vmem>>
    %dma_start3A_188 = arith.constant 0 : i32
    %dma_start3A_189 = arith.constant 0 : i32
    %dma_start3A_190 = tpu.memref_slice %arg3[%dma_start3A_188, %dma_start3A_189] : memref<512x64xf32, #tpu.memory_space<hbm>> -> memref<512x64xf32, #tpu.memory_space<hbm>>
    tpu.enqueue_indirect_dma source(%dma_start3A_190 : memref<512x64xf32, #tpu.memory_space<hbm>>) target(%dma_start3A_185 : memref<128x64xf32, #tpu.memory_space<vmem>>) offsets(%dma_start3A_187 : memref<128xi32, #tpu.memory_space<vmem>>) semaphore(%arg7 : memref<!tpu.dma_semaphore, #tpu.memory_space<semaphore_mem>>)
    %dma_wait3A_191 = arith.constant 0 : i32
    %dma_wait3A_192 = arith.constant 0 : i32
    %dma_wait3A_193 = arith.constant 0 : i32
    %dma_wait3A_194 = tpu.memref_slice %arg6[%dma_wait3A_191, %dma_wait3A_192, %dma_wait3A_193] : memref<4x128x64xf32, #tpu.memory_space<vmem>> -> memref<1x128x64xf32, #tpu.memory_space<vmem>>
    %dma_wait3A_195 = tpu.memref_squeeze %dma_wait3A_194 : memref<1x128x64xf32, #tpu.memory_space<vmem>> -> memref<128x64xf32, #tpu.memory_space<vmem>>
    %dma_wait3A_196 = arith.constant 512 : i32
    %dma_wait3A_197 = tpu.memref_slice %arg5[%dma_wait3A_196] : memref<1024xi32, #tpu.memory_space<vmem>> -> memref<128xi32, #tpu.memory_space<vmem>>
    %dma_wait3A_198 = arith.constant 0 : i32
    %dma_wait3A_199 = arith.constant 0 : i32
    %dma_wait3A_200 = tpu.memref_slice %arg3[%dma_wait3A_198, %dma_wait3A_199] : memref<512x64xf32, #tpu.memory_space<hbm>> -> memref<512x64xf32, #tpu.memory_space<hbm>>
    tpu.wait_indirect_dma semaphore(%arg7 : memref<!tpu.dma_semaphore, #tpu.memory_space<semaphore_mem>>) src(%dma_wait3A_200 : memref<512x64xf32, #tpu.memory_space<hbm>>) dst(%dma_wait3A_195 : memref<128x64xf32, #tpu.memory_space<vmem>>)
    %add3A_201 = arith.constant 512 : i32
    %add3A_202 = arith.addi %multiple_of3A, %add3A_201 : i32
    %multiple_of3A_203 = tpu.assume_multiple %add3A_202, 128 : i32
    %dma_start3A_204 = arith.constant 0 : i32
    %dma_start3A_205 = arith.constant 0 : i32
    %dma_start3A_206 = arith.constant 0 : i32
    %dma_start3A_207 = tpu.memref_slice %arg6[%dma_start3A_204, %dma_start3A_205, %dma_start3A_206] : memref<4x128x64xf32, #tpu.memory_space<vmem>> -> memref<1x128x64xf32, #tpu.memory_space<vmem>>
    %dma_start3A_208 = tpu.memref_squeeze %dma_start3A_207 : memref<1x128x64xf32, #tpu.memory_space<vmem>> -> memref<128x64xf32, #tpu.memory_space<vmem>>
    %dma_start3A_209 = arith.constant 0 : i32
    %dma_start3A_210 = tpu.memref_slice %arg4[%multiple_of3A_203, %dma_start3A_209] : memref<32768x64xf32, #tpu.memory_space<hbm>> -> memref<128x64xf32, #tpu.memory_space<hbm>>
    %dma_start3A_211 = arith.constant 0 : i32
    %dma_start3A_212 = tpu.memref_slice %arg4[%multiple_of3A_203, %dma_start3A_211] : memref<32768x64xf32, #tpu.memory_space<hbm>> -> memref<128x64xf32, #tpu.memory_space<hbm>>
    %dma_start3A_213 = arith.constant 0 : i32
    %dma_start3A_214 = arith.constant 0 : i32
    %dma_start3A_215 = tpu.memref_slice %arg6[%dma_start3A_204, %dma_start3A_213, %dma_start3A_214] : memref<4x128x64xf32, #tpu.memory_space<vmem>> -> memref<1x128x64xf32, #tpu.memory_space<vmem>>
    %dma_start3A_216 = tpu.memref_squeeze %dma_start3A_215 : memref<1x128x64xf32, #tpu.memory_space<vmem>> -> memref<128x64xf32, #tpu.memory_space<vmem>>
    tpu.enqueue_dma source(%dma_start3A_216 : memref<128x64xf32, #tpu.memory_space<vmem>>) target(%dma_start3A_212 : memref<128x64xf32, #tpu.memory_space<hbm>>) target_semaphore(%arg8 : memref<!tpu.dma_semaphore, #tpu.memory_space<semaphore_mem>>)
    %dma_wait3A_217 = arith.constant 2 : i32
    %dma_wait3A_218 = arith.constant 0 : i32
    %dma_wait3A_219 = arith.constant 0 : i32
    %dma_wait3A_220 = tpu.memref_slice %arg6[%dma_wait3A_217, %dma_wait3A_218, %dma_wait3A_219] : memref<4x128x64xf32, #tpu.memory_space<vmem>> -> memref<1x128x64xf32, #tpu.memory_space<vmem>>
    %dma_wait3A_221 = tpu.memref_squeeze %dma_wait3A_220 : memref<1x128x64xf32, #tpu.memory_space<vmem>> -> memref<128x64xf32, #tpu.memory_space<vmem>>
    %dma_wait3A_222 = arith.constant 0 : i32
    %dma_wait3A_223 = tpu.memref_slice %arg4[%multiple_of3A_105, %dma_wait3A_222] : memref<32768x64xf32, #tpu.memory_space<hbm>> -> memref<128x64xf32, #tpu.memory_space<hbm>>
    %dma_wait3A_224 = arith.constant 0 : i32
    %dma_wait3A_225 = tpu.memref_slice %arg4[%multiple_of3A_105, %dma_wait3A_224] : memref<32768x64xf32, #tpu.memory_space<hbm>> -> memref<128x64xf32, #tpu.memory_space<hbm>>
    %dma_wait3A_226 = arith.constant 0 : i32
    %dma_wait3A_227 = arith.constant 0 : i32
    %dma_wait3A_228 = tpu.memref_slice %arg6[%dma_wait3A_217, %dma_wait3A_226, %dma_wait3A_227] : memref<4x128x64xf32, #tpu.memory_space<vmem>> -> memref<1x128x64xf32, #tpu.memory_space<vmem>>
    %dma_wait3A_229 = tpu.memref_squeeze %dma_wait3A_228 : memref<1x128x64xf32, #tpu.memory_space<vmem>> -> memref<128x64xf32, #tpu.memory_space<vmem>>
    tpu.wait_dma2 semaphore(%arg8 : memref<!tpu.dma_semaphore, #tpu.memory_space<semaphore_mem>>) src(%dma_wait3A_229 : memref<128x64xf32, #tpu.memory_space<vmem>>) dst(%dma_wait3A_225 : memref<128x64xf32, #tpu.memory_space<hbm>>)
    %dma_start3A_230 = arith.constant 2 : i32
    %dma_start3A_231 = arith.constant 0 : i32
    %dma_start3A_232 = arith.constant 0 : i32
    %dma_start3A_233 = tpu.memref_slice %arg6[%dma_start3A_230, %dma_start3A_231, %dma_start3A_232] : memref<4x128x64xf32, #tpu.memory_space<vmem>> -> memref<1x128x64xf32, #tpu.memory_space<vmem>>
    %dma_start3A_234 = tpu.memref_squeeze %dma_start3A_233 : memref<1x128x64xf32, #tpu.memory_space<vmem>> -> memref<128x64xf32, #tpu.memory_space<vmem>>
    %dma_start3A_235 = arith.constant 768 : i32
    %dma_start3A_236 = tpu.memref_slice %arg5[%dma_start3A_235] : memref<1024xi32, #tpu.memory_space<vmem>> -> memref<128xi32, #tpu.memory_space<vmem>>
    %dma_start3A_237 = arith.constant 0 : i32
    %dma_start3A_238 = arith.constant 0 : i32
    %dma_start3A_239 = tpu.memref_slice %arg3[%dma_start3A_237, %dma_start3A_238] : memref<512x64xf32, #tpu.memory_space<hbm>> -> memref<512x64xf32, #tpu.memory_space<hbm>>
    tpu.enqueue_indirect_dma source(%dma_start3A_239 : memref<512x64xf32, #tpu.memory_space<hbm>>) target(%dma_start3A_234 : memref<128x64xf32, #tpu.memory_space<vmem>>) offsets(%dma_start3A_236 : memref<128xi32, #tpu.memory_space<vmem>>) semaphore(%arg7 : memref<!tpu.dma_semaphore, #tpu.memory_space<semaphore_mem>>)
    %dma_wait3A_240 = arith.constant 1 : i32
    %dma_wait3A_241 = arith.constant 0 : i32
    %dma_wait3A_242 = arith.constant 0 : i32
    %dma_wait3A_243 = tpu.memref_slice %arg6[%dma_wait3A_240, %dma_wait3A_241, %dma_wait3A_242] : memref<4x128x64xf32, #tpu.memory_space<vmem>> -> memref<1x128x64xf32, #tpu.memory_space<vmem>>
    %dma_wait3A_244 = tpu.memref_squeeze %dma_wait3A_243 : memref<1x128x64xf32, #tpu.memory_space<vmem>> -> memref<128x64xf32, #tpu.memory_space<vmem>>
    %dma_wait3A_245 = arith.constant 640 : i32
    %dma_wait3A_246 = tpu.memref_slice %arg5[%dma_wait3A_245] : memref<1024xi32, #tpu.memory_space<vmem>> -> memref<128xi32, #tpu.memory_space<vmem>>
    %dma_wait3A_247 = arith.constant 0 : i32
    %dma_wait3A_248 = arith.constant 0 : i32
    %dma_wait3A_249 = tpu.memref_slice %arg3[%dma_wait3A_247, %dma_wait3A_248] : memref<512x64xf32, #tpu.memory_space<hbm>> -> memref<512x64xf32, #tpu.memory_space<hbm>>
    tpu.wait_indirect_dma semaphore(%arg7 : memref<!tpu.dma_semaphore, #tpu.memory_space<semaphore_mem>>) src(%dma_wait3A_249 : memref<512x64xf32, #tpu.memory_space<hbm>>) dst(%dma_wait3A_244 : memref<128x64xf32, #tpu.memory_space<vmem>>)
    %add3A_250 = arith.constant 640 : i32
    %add3A_251 = arith.addi %multiple_of3A, %add3A_250 : i32
    %multiple_of3A_252 = tpu.assume_multiple %add3A_251, 128 : i32
    %dma_start3A_253 = arith.constant 1 : i32
    %dma_start3A_254 = arith.constant 0 : i32
    %dma_start3A_255 = arith.constant 0 : i32
    %dma_start3A_256 = tpu.memref_slice %arg6[%dma_start3A_253, %dma_start3A_254, %dma_start3A_255] : memref<4x128x64xf32, #tpu.memory_space<vmem>> -> memref<1x128x64xf32, #tpu.memory_space<vmem>>
    %dma_start3A_257 = tpu.memref_squeeze %dma_start3A_256 : memref<1x128x64xf32, #tpu.memory_space<vmem>> -> memref<128x64xf32, #tpu.memory_space<vmem>>
    %dma_start3A_258 = arith.constant 0 : i32
    %dma_start3A_259 = tpu.memref_slice %arg4[%multiple_of3A_252, %dma_start3A_258] : memref<32768x64xf32, #tpu.memory_space<hbm>> -> memref<128x64xf32, #tpu.memory_space<hbm>>
    %dma_start3A_260 = arith.constant 0 : i32
    %dma_start3A_261 = tpu.memref_slice %arg4[%multiple_of3A_252, %dma_start3A_260] : memref<32768x64xf32, #tpu.memory_space<hbm>> -> memref<128x64xf32, #tpu.memory_space<hbm>>
    %dma_start3A_262 = arith.constant 0 : i32
    %dma_start3A_263 = arith.constant 0 : i32
    %dma_start3A_264 = tpu.memref_slice %arg6[%dma_start3A_253, %dma_start3A_262, %dma_start3A_263] : memref<4x128x64xf32, #tpu.memory_space<vmem>> -> memref<1x128x64xf32, #tpu.memory_space<vmem>>
    %dma_start3A_265 = tpu.memref_squeeze %dma_start3A_264 : memref<1x128x64xf32, #tpu.memory_space<vmem>> -> memref<128x64xf32, #tpu.memory_space<vmem>>
    tpu.enqueue_dma source(%dma_start3A_265 : memref<128x64xf32, #tpu.memory_space<vmem>>) target(%dma_start3A_261 : memref<128x64xf32, #tpu.memory_space<hbm>>) target_semaphore(%arg8 : memref<!tpu.dma_semaphore, #tpu.memory_space<semaphore_mem>>)
    %dma_wait3A_266 = arith.constant 3 : i32
    %dma_wait3A_267 = arith.constant 0 : i32
    %dma_wait3A_268 = arith.constant 0 : i32
    %dma_wait3A_269 = tpu.memref_slice %arg6[%dma_wait3A_266, %dma_wait3A_267, %dma_wait3A_268] : memref<4x128x64xf32, #tpu.memory_space<vmem>> -> memref<1x128x64xf32, #tpu.memory_space<vmem>>
    %dma_wait3A_270 = tpu.memref_squeeze %dma_wait3A_269 : memref<1x128x64xf32, #tpu.memory_space<vmem>> -> memref<128x64xf32, #tpu.memory_space<vmem>>
    %dma_wait3A_271 = arith.constant 0 : i32
    %dma_wait3A_272 = tpu.memref_slice %arg4[%multiple_of3A_154, %dma_wait3A_271] : memref<32768x64xf32, #tpu.memory_space<hbm>> -> memref<128x64xf32, #tpu.memory_space<hbm>>
    %dma_wait3A_273 = arith.constant 0 : i32
    %dma_wait3A_274 = tpu.memref_slice %arg4[%multiple_of3A_154, %dma_wait3A_273] : memref<32768x64xf32, #tpu.memory_space<hbm>> -> memref<128x64xf32, #tpu.memory_space<hbm>>
    %dma_wait3A_275 = arith.constant 0 : i32
    %dma_wait3A_276 = arith.constant 0 : i32
    %dma_wait3A_277 = tpu.memref_slice %arg6[%dma_wait3A_266, %dma_wait3A_275, %dma_wait3A_276] : memref<4x128x64xf32, #tpu.memory_space<vmem>> -> memref<1x128x64xf32, #tpu.memory_space<vmem>>
    %dma_wait3A_278 = tpu.memref_squeeze %dma_wait3A_277 : memref<1x128x64xf32, #tpu.memory_space<vmem>> -> memref<128x64xf32, #tpu.memory_space<vmem>>
    tpu.wait_dma2 semaphore(%arg8 : memref<!tpu.dma_semaphore, #tpu.memory_space<semaphore_mem>>) src(%dma_wait3A_278 : memref<128x64xf32, #tpu.memory_space<vmem>>) dst(%dma_wait3A_274 : memref<128x64xf32, #tpu.memory_space<hbm>>)
    %dma_start3A_279 = arith.constant 3 : i32
    %dma_start3A_280 = arith.constant 0 : i32
    %dma_start3A_281 = arith.constant 0 : i32
    %dma_start3A_282 = tpu.memref_slice %arg6[%dma_start3A_279, %dma_start3A_280, %dma_start3A_281] : memref<4x128x64xf32, #tpu.memory_space<vmem>> -> memref<1x128x64xf32, #tpu.memory_space<vmem>>
    %dma_start3A_283 = tpu.memref_squeeze %dma_start3A_282 : memref<1x128x64xf32, #tpu.memory_space<vmem>> -> memref<128x64xf32, #tpu.memory_space<vmem>>
    %dma_start3A_284 = arith.constant 896 : i32
    %dma_start3A_285 = tpu.memref_slice %arg5[%dma_start3A_284] : memref<1024xi32, #tpu.memory_space<vmem>> -> memref<128xi32, #tpu.memory_space<vmem>>
    %dma_start3A_286 = arith.constant 0 : i32
    %dma_start3A_287 = arith.constant 0 : i32
    %dma_start3A_288 = tpu.memref_slice %arg3[%dma_start3A_286, %dma_start3A_287] : memref<512x64xf32, #tpu.memory_space<hbm>> -> memref<512x64xf32, #tpu.memory_space<hbm>>
    tpu.enqueue_indirect_dma source(%dma_start3A_288 : memref<512x64xf32, #tpu.memory_space<hbm>>) target(%dma_start3A_283 : memref<128x64xf32, #tpu.memory_space<vmem>>) offsets(%dma_start3A_285 : memref<128xi32, #tpu.memory_space<vmem>>) semaphore(%arg7 : memref<!tpu.dma_semaphore, #tpu.memory_space<semaphore_mem>>)
    %dma_wait3A_289 = arith.constant 2 : i32
    %dma_wait3A_290 = arith.constant 0 : i32
    %dma_wait3A_291 = arith.constant 0 : i32
    %dma_wait3A_292 = tpu.memref_slice %arg6[%dma_wait3A_289, %dma_wait3A_290, %dma_wait3A_291] : memref<4x128x64xf32, #tpu.memory_space<vmem>> -> memref<1x128x64xf32, #tpu.memory_space<vmem>>
    %dma_wait3A_293 = tpu.memref_squeeze %dma_wait3A_292 : memref<1x128x64xf32, #tpu.memory_space<vmem>> -> memref<128x64xf32, #tpu.memory_space<vmem>>
    %dma_wait3A_294 = arith.constant 768 : i32
    %dma_wait3A_295 = tpu.memref_slice %arg5[%dma_wait3A_294] : memref<1024xi32, #tpu.memory_space<vmem>> -> memref<128xi32, #tpu.memory_space<vmem>>
    %dma_wait3A_296 = arith.constant 0 : i32
    %dma_wait3A_297 = arith.constant 0 : i32
    %dma_wait3A_298 = tpu.memref_slice %arg3[%dma_wait3A_296, %dma_wait3A_297] : memref<512x64xf32, #tpu.memory_space<hbm>> -> memref<512x64xf32, #tpu.memory_space<hbm>>
    tpu.wait_indirect_dma semaphore(%arg7 : memref<!tpu.dma_semaphore, #tpu.memory_space<semaphore_mem>>) src(%dma_wait3A_298 : memref<512x64xf32, #tpu.memory_space<hbm>>) dst(%dma_wait3A_293 : memref<128x64xf32, #tpu.memory_space<vmem>>)
    %add3A_299 = arith.constant 768 : i32
    %add3A_300 = arith.addi %multiple_of3A, %add3A_299 : i32
    %multiple_of3A_301 = tpu.assume_multiple %add3A_300, 128 : i32
    %dma_start3A_302 = arith.constant 2 : i32
    %dma_start3A_303 = arith.constant 0 : i32
    %dma_start3A_304 = arith.constant 0 : i32
    %dma_start3A_305 = tpu.memref_slice %arg6[%dma_start3A_302, %dma_start3A_303, %dma_start3A_304] : memref<4x128x64xf32, #tpu.memory_space<vmem>> -> memref<1x128x64xf32, #tpu.memory_space<vmem>>
    %dma_start3A_306 = tpu.memref_squeeze %dma_start3A_305 : memref<1x128x64xf32, #tpu.memory_space<vmem>> -> memref<128x64xf32, #tpu.memory_space<vmem>>
    %dma_start3A_307 = arith.constant 0 : i32
    %dma_start3A_308 = tpu.memref_slice %arg4[%multiple_of3A_301, %dma_start3A_307] : memref<32768x64xf32, #tpu.memory_space<hbm>> -> memref<128x64xf32, #tpu.memory_space<hbm>>
    %dma_start3A_309 = arith.constant 0 : i32
    %dma_start3A_310 = tpu.memref_slice %arg4[%multiple_of3A_301, %dma_start3A_309] : memref<32768x64xf32, #tpu.memory_space<hbm>> -> memref<128x64xf32, #tpu.memory_space<hbm>>
    %dma_start3A_311 = arith.constant 0 : i32
    %dma_start3A_312 = arith.constant 0 : i32
    %dma_start3A_313 = tpu.memref_slice %arg6[%dma_start3A_302, %dma_start3A_311, %dma_start3A_312] : memref<4x128x64xf32, #tpu.memory_space<vmem>> -> memref<1x128x64xf32, #tpu.memory_space<vmem>>
    %dma_start3A_314 = tpu.memref_squeeze %dma_start3A_313 : memref<1x128x64xf32, #tpu.memory_space<vmem>> -> memref<128x64xf32, #tpu.memory_space<vmem>>
    tpu.enqueue_dma source(%dma_start3A_314 : memref<128x64xf32, #tpu.memory_space<vmem>>) target(%dma_start3A_310 : memref<128x64xf32, #tpu.memory_space<hbm>>) target_semaphore(%arg8 : memref<!tpu.dma_semaphore, #tpu.memory_space<semaphore_mem>>)
    %dma_wait3A_315 = arith.constant 3 : i32
    %dma_wait3A_316 = arith.constant 0 : i32
    %dma_wait3A_317 = arith.constant 0 : i32
    %dma_wait3A_318 = tpu.memref_slice %arg6[%dma_wait3A_315, %dma_wait3A_316, %dma_wait3A_317] : memref<4x128x64xf32, #tpu.memory_space<vmem>> -> memref<1x128x64xf32, #tpu.memory_space<vmem>>
    %dma_wait3A_319 = tpu.memref_squeeze %dma_wait3A_318 : memref<1x128x64xf32, #tpu.memory_space<vmem>> -> memref<128x64xf32, #tpu.memory_space<vmem>>
    %dma_wait3A_320 = arith.constant 896 : i32
    %dma_wait3A_321 = tpu.memref_slice %arg5[%dma_wait3A_320] : memref<1024xi32, #tpu.memory_space<vmem>> -> memref<128xi32, #tpu.memory_space<vmem>>
    %dma_wait3A_322 = arith.constant 0 : i32
    %dma_wait3A_323 = arith.constant 0 : i32
    %dma_wait3A_324 = tpu.memref_slice %arg3[%dma_wait3A_322, %dma_wait3A_323] : memref<512x64xf32, #tpu.memory_space<hbm>> -> memref<512x64xf32, #tpu.memory_space<hbm>>
    tpu.wait_indirect_dma semaphore(%arg7 : memref<!tpu.dma_semaphore, #tpu.memory_space<semaphore_mem>>) src(%dma_wait3A_324 : memref<512x64xf32, #tpu.memory_space<hbm>>) dst(%dma_wait3A_319 : memref<128x64xf32, #tpu.memory_space<vmem>>)
    %add3A_325 = arith.constant 896 : i32
    %add3A_326 = arith.addi %multiple_of3A, %add3A_325 : i32
    %multiple_of3A_327 = tpu.assume_multiple %add3A_326, 128 : i32
    %dma_start3A_328 = arith.constant 3 : i32
    %dma_start3A_329 = arith.constant 0 : i32
    %dma_start3A_330 = arith.constant 0 : i32
    %dma_start3A_331 = tpu.memref_slice %arg6[%dma_start3A_328, %dma_start3A_329, %dma_start3A_330] : memref<4x128x64xf32, #tpu.memory_space<vmem>> -> memref<1x128x64xf32, #tpu.memory_space<vmem>>
    %dma_start3A_332 = tpu.memref_squeeze %dma_start3A_331 : memref<1x128x64xf32, #tpu.memory_space<vmem>> -> memref<128x64xf32, #tpu.memory_space<vmem>>
    %dma_start3A_333 = arith.constant 0 : i32
    %dma_start3A_334 = tpu.memref_slice %arg4[%multiple_of3A_327, %dma_start3A_333] : memref<32768x64xf32, #tpu.memory_space<hbm>> -> memref<128x64xf32, #tpu.memory_space<hbm>>
    %dma_start3A_335 = arith.constant 0 : i32
    %dma_start3A_336 = tpu.memref_slice %arg4[%multiple_of3A_327, %dma_start3A_335] : memref<32768x64xf32, #tpu.memory_space<hbm>> -> memref<128x64xf32, #tpu.memory_space<hbm>>
    %dma_start3A_337 = arith.constant 0 : i32
    %dma_start3A_338 = arith.constant 0 : i32
    %dma_start3A_339 = tpu.memref_slice %arg6[%dma_start3A_328, %dma_start3A_337, %dma_start3A_338] : memref<4x128x64xf32, #tpu.memory_space<vmem>> -> memref<1x128x64xf32, #tpu.memory_space<vmem>>
    %dma_start3A_340 = tpu.memref_squeeze %dma_start3A_339 : memref<1x128x64xf32, #tpu.memory_space<vmem>> -> memref<128x64xf32, #tpu.memory_space<vmem>>
    tpu.enqueue_dma source(%dma_start3A_340 : memref<128x64xf32, #tpu.memory_space<vmem>>) target(%dma_start3A_336 : memref<128x64xf32, #tpu.memory_space<hbm>>) target_semaphore(%arg8 : memref<!tpu.dma_semaphore, #tpu.memory_space<semaphore_mem>>)
    %dma_wait3A_341 = arith.constant 0 : i32
    %dma_wait3A_342 = arith.constant 0 : i32
    %dma_wait3A_343 = arith.constant 0 : i32
    %dma_wait3A_344 = tpu.memref_slice %arg6[%dma_wait3A_341, %dma_wait3A_342, %dma_wait3A_343] : memref<4x128x64xf32, #tpu.memory_space<vmem>> -> memref<1x128x64xf32, #tpu.memory_space<vmem>>
    %dma_wait3A_345 = tpu.memref_squeeze %dma_wait3A_344 : memref<1x128x64xf32, #tpu.memory_space<vmem>> -> memref<128x64xf32, #tpu.memory_space<vmem>>
    %dma_wait3A_346 = arith.constant 0 : i32
    %dma_wait3A_347 = tpu.memref_slice %arg4[%multiple_of3A_203, %dma_wait3A_346] : memref<32768x64xf32, #tpu.memory_space<hbm>> -> memref<128x64xf32, #tpu.memory_space<hbm>>
    %dma_wait3A_348 = arith.constant 0 : i32
    %dma_wait3A_349 = tpu.memref_slice %arg4[%multiple_of3A_203, %dma_wait3A_348] : memref<32768x64xf32, #tpu.memory_space<hbm>> -> memref<128x64xf32, #tpu.memory_space<hbm>>
    %dma_wait3A_350 = arith.constant 0 : i32
    %dma_wait3A_351 = arith.constant 0 : i32
    %dma_wait3A_352 = tpu.memref_slice %arg6[%dma_wait3A_341, %dma_wait3A_350, %dma_wait3A_351] : memref<4x128x64xf32, #tpu.memory_space<vmem>> -> memref<1x128x64xf32, #tpu.memory_space<vmem>>
    %dma_wait3A_353 = tpu.memref_squeeze %dma_wait3A_352 : memref<1x128x64xf32, #tpu.memory_space<vmem>> -> memref<128x64xf32, #tpu.memory_space<vmem>>
    tpu.wait_dma2 semaphore(%arg8 : memref<!tpu.dma_semaphore, #tpu.memory_space<semaphore_mem>>) src(%dma_wait3A_353 : memref<128x64xf32, #tpu.memory_space<vmem>>) dst(%dma_wait3A_349 : memref<128x64xf32, #tpu.memory_space<hbm>>)
    %dma_wait3A_354 = arith.constant 1 : i32
    %dma_wait3A_355 = arith.constant 0 : i32
    %dma_wait3A_356 = arith.constant 0 : i32
    %dma_wait3A_357 = tpu.memref_slice %arg6[%dma_wait3A_354, %dma_wait3A_355, %dma_wait3A_356] : memref<4x128x64xf32, #tpu.memory_space<vmem>> -> memref<1x128x64xf32, #tpu.memory_space<vmem>>
    %dma_wait3A_358 = tpu.memref_squeeze %dma_wait3A_357 : memref<1x128x64xf32, #tpu.memory_space<vmem>> -> memref<128x64xf32, #tpu.memory_space<vmem>>
    %dma_wait3A_359 = arith.constant 0 : i32
    %dma_wait3A_360 = tpu.memref_slice %arg4[%multiple_of3A_252, %dma_wait3A_359] : memref<32768x64xf32, #tpu.memory_space<hbm>> -> memref<128x64xf32, #tpu.memory_space<hbm>>
    %dma_wait3A_361 = arith.constant 0 : i32
    %dma_wait3A_362 = tpu.memref_slice %arg4[%multiple_of3A_252, %dma_wait3A_361] : memref<32768x64xf32, #tpu.memory_space<hbm>> -> memref<128x64xf32, #tpu.memory_space<hbm>>
    %dma_wait3A_363 = arith.constant 0 : i32
    %dma_wait3A_364 = arith.constant 0 : i32
    %dma_wait3A_365 = tpu.memref_slice %arg6[%dma_wait3A_354, %dma_wait3A_363, %dma_wait3A_364] : memref<4x128x64xf32, #tpu.memory_space<vmem>> -> memref<1x128x64xf32, #tpu.memory_space<vmem>>
    %dma_wait3A_366 = tpu.memref_squeeze %dma_wait3A_365 : memref<1x128x64xf32, #tpu.memory_space<vmem>> -> memref<128x64xf32, #tpu.memory_space<vmem>>
    tpu.wait_dma2 semaphore(%arg8 : memref<!tpu.dma_semaphore, #tpu.memory_space<semaphore_mem>>) src(%dma_wait3A_366 : memref<128x64xf32, #tpu.memory_space<vmem>>) dst(%dma_wait3A_362 : memref<128x64xf32, #tpu.memory_space<hbm>>)
    %dma_wait3A_367 = arith.constant 2 : i32
    %dma_wait3A_368 = arith.constant 0 : i32
    %dma_wait3A_369 = arith.constant 0 : i32
    %dma_wait3A_370 = tpu.memref_slice %arg6[%dma_wait3A_367, %dma_wait3A_368, %dma_wait3A_369] : memref<4x128x64xf32, #tpu.memory_space<vmem>> -> memref<1x128x64xf32, #tpu.memory_space<vmem>>
    %dma_wait3A_371 = tpu.memref_squeeze %dma_wait3A_370 : memref<1x128x64xf32, #tpu.memory_space<vmem>> -> memref<128x64xf32, #tpu.memory_space<vmem>>
    %dma_wait3A_372 = arith.constant 0 : i32
    %dma_wait3A_373 = tpu.memref_slice %arg4[%multiple_of3A_301, %dma_wait3A_372] : memref<32768x64xf32, #tpu.memory_space<hbm>> -> memref<128x64xf32, #tpu.memory_space<hbm>>
    %dma_wait3A_374 = arith.constant 0 : i32
    %dma_wait3A_375 = tpu.memref_slice %arg4[%multiple_of3A_301, %dma_wait3A_374] : memref<32768x64xf32, #tpu.memory_space<hbm>> -> memref<128x64xf32, #tpu.memory_space<hbm>>
    %dma_wait3A_376 = arith.constant 0 : i32
    %dma_wait3A_377 = arith.constant 0 : i32
    %dma_wait3A_378 = tpu.memref_slice %arg6[%dma_wait3A_367, %dma_wait3A_376, %dma_wait3A_377] : memref<4x128x64xf32, #tpu.memory_space<vmem>> -> memref<1x128x64xf32, #tpu.memory_space<vmem>>
    %dma_wait3A_379 = tpu.memref_squeeze %dma_wait3A_378 : memref<1x128x64xf32, #tpu.memory_space<vmem>> -> memref<128x64xf32, #tpu.memory_space<vmem>>
    tpu.wait_dma2 semaphore(%arg8 : memref<!tpu.dma_semaphore, #tpu.memory_space<semaphore_mem>>) src(%dma_wait3A_379 : memref<128x64xf32, #tpu.memory_space<vmem>>) dst(%dma_wait3A_375 : memref<128x64xf32, #tpu.memory_space<hbm>>)
    %dma_wait3A_380 = arith.constant 3 : i32
    %dma_wait3A_381 = arith.constant 0 : i32
    %dma_wait3A_382 = arith.constant 0 : i32
    %dma_wait3A_383 = tpu.memref_slice %arg6[%dma_wait3A_380, %dma_wait3A_381, %dma_wait3A_382] : memref<4x128x64xf32, #tpu.memory_space<vmem>> -> memref<1x128x64xf32, #tpu.memory_space<vmem>>
    %dma_wait3A_384 = tpu.memref_squeeze %dma_wait3A_383 : memref<1x128x64xf32, #tpu.memory_space<vmem>> -> memref<128x64xf32, #tpu.memory_space<vmem>>
    %dma_wait3A_385 = arith.constant 0 : i32
    %dma_wait3A_386 = tpu.memref_slice %arg4[%multiple_of3A_327, %dma_wait3A_385] : memref<32768x64xf32, #tpu.memory_space<hbm>> -> memref<128x64xf32, #tpu.memory_space<hbm>>
    %dma_wait3A_387 = arith.constant 0 : i32
    %dma_wait3A_388 = tpu.memref_slice %arg4[%multiple_of3A_327, %dma_wait3A_387] : memref<32768x64xf32, #tpu.memory_space<hbm>> -> memref<128x64xf32, #tpu.memory_space<hbm>>
    %dma_wait3A_389 = arith.constant 0 : i32
    %dma_wait3A_390 = arith.constant 0 : i32
    %dma_wait3A_391 = tpu.memref_slice %arg6[%dma_wait3A_380, %dma_wait3A_389, %dma_wait3A_390] : memref<4x128x64xf32, #tpu.memory_space<vmem>> -> memref<1x128x64xf32, #tpu.memory_space<vmem>>
    %dma_wait3A_392 = tpu.memref_squeeze %dma_wait3A_391 : memref<1x128x64xf32, #tpu.memory_space<vmem>> -> memref<128x64xf32, #tpu.memory_space<vmem>>
    tpu.wait_dma2 semaphore(%arg8 : memref<!tpu.dma_semaphore, #tpu.memory_space<semaphore_mem>>) src(%dma_wait3A_392 : memref<128x64xf32, #tpu.memory_space<vmem>>) dst(%dma_wait3A_388 : memref<128x64xf32, #tpu.memory_space<hbm>>)
    return
  }
}

module attributes {stable_mosaic.version = 14 : i64} {
  func.func @_tc_body(%arg0: i32, %arg1: memref<2048x64xf32, #tpu.memory_space<vmem>>, %arg2: memref<512x64xf32, #tpu.memory_space<vmem>>, %arg3: memref<2048xi32, #tpu.memory_space<vmem>>, %arg4: memref<1xf32, #tpu.memory_space<smem>>) attributes {dimension_semantics = [#tpu.dimension_semantics<arbitrary>], iteration_bounds = array<i64: 16>, scalar_prefetch = 0 : i64, scratch_operands = 0 : i64, tpu.core_type = #tpu.core_type<tc>, window_params = [{transform_indices = @transform_0, window_bounds = array<i64: 2048, 64>}, {pipeline_mode = #tpu.pipeline_mode<synchronous>, transform_indices = @transform_1, window_bounds = array<i64: 512, 64>}, {transform_indices = @transform_2, window_bounds = array<i64: 2048>}, {transform_indices = @transform_3, window_bounds = array<i64: 1>}]} {
    %get3A = arith.constant 0 : index
    %get3A_0 = arith.constant 0 : index
    %get3A_1 = vector.load %arg1[%get3A, %get3A_0] : memref<2048x64xf32, #tpu.memory_space<vmem>>, vector<2048x64xf32>
    %get3A_2 = arith.constant 0 : index
    %get3A_3 = arith.constant 0 : index
    %get3A_4 = vector.load %arg2[%get3A_2, %get3A_3] : memref<512x64xf32, #tpu.memory_space<vmem>>, vector<512x64xf32>
    %dot_general3A = arith.constant dense<0.000000e+00> : vector<2048x512xf32>
    %dot_general3A_5 = tpu.matmul %get3A_1, %get3A_4, %dot_general3A {dimension_numbers = #tpu.dot_dimension_numbers<[1], [1], [0], [0], [0, 0, 1, 0], [], []>, transpose_lhs_hint = false} : vector<2048x64xf32>, vector<512x64xf32>, vector<2048x512xf32> -> vector<2048x512xf32>
    %mul3A = arith.mulf %get3A_1, %get3A_1 : vector<2048x64xf32>
    %reduce_sum3A = arith.constant dense<0.000000e+00> : vector<2048xf32>
    %reduce_sum3A_6 = vector.multi_reduction <add>, %mul3A, %reduce_sum3A [1] : vector<2048x64xf32> to vector<2048xf32>
    %broadcast_in_dim3A = vector.shape_cast %reduce_sum3A_6 : vector<2048xf32> to vector<2048x1xf32>
    %mul3A_7 = arith.constant 5.000000e-01 : f32
    %mul3A_8 = vector.broadcast %mul3A_7 : f32 to vector<512x64xf32>
    %mul3A_9 = arith.mulf %get3A_4, %mul3A_8 : vector<512x64xf32>
    %mul3A_10 = arith.mulf %mul3A_9, %mul3A_9 : vector<512x64xf32>
    %reduce_sum3A_11 = arith.constant dense<0.000000e+00> : vector<512xf32>
    %reduce_sum3A_12 = vector.multi_reduction <add>, %mul3A_10, %reduce_sum3A_11 [1] : vector<512x64xf32> to vector<512xf32>
    %broadcast_in_dim3A_13 = vector.shape_cast %reduce_sum3A_12 : vector<512xf32> to vector<1x512xf32>
    %add3A = vector.broadcast %broadcast_in_dim3A : vector<2048x1xf32> to vector<2048x512xf32>
    %add3A_14 = vector.broadcast %broadcast_in_dim3A_13 : vector<1x512xf32> to vector<2048x512xf32>
    %add3A_15 = arith.addf %add3A, %add3A_14 : vector<2048x512xf32>
    %sub3A = arith.subf %add3A_15, %dot_general3A_5 : vector<2048x512xf32>
    %max3A = arith.constant 0.000000e+00 : f32
    %max3A_16 = vector.broadcast %max3A : f32 to vector<2048x512xf32>
    %max3A_17 = arith.maximumf %sub3A, %max3A_16 : vector<2048x512xf32>
    %sqrt3A = math.sqrt %max3A_17 : vector<2048x512xf32>
    %reduce_min3A = arith.constant dense<0x7F800000> : vector<2048xf32>
    %reduce_min3A_18 = vector.multi_reduction <minimumf>, %sqrt3A, %reduce_min3A [1] : vector<2048x512xf32> to vector<2048xf32>
    %argmin3A = tpu.reduce_index %sqrt3A {axis = 1 : i32, kind = #tpu.reduction_kind<arg_min>} : vector<2048x512xf32> -> vector<2048xi32>
    %swap3A = arith.constant 0 : index
    %swap3A_19 = vector.load %arg3[%swap3A] : memref<2048xi32, #tpu.memory_space<vmem>>, vector<2048xi32>
    tpu.vector_store %arg3[%swap3A], %argmin3A {strides = array<i32>} : memref<2048xi32, #tpu.memory_space<vmem>>, vector<2048xi32>,
    %mul3A_20 = arith.mulf %reduce_min3A_18, %reduce_min3A_18 : vector<2048xf32>
    %reduce_sum3A_21 = vector.shape_cast %mul3A_20 : vector<2048xf32> to vector<1x2048xf32>
    %reduce_sum3A_22 = arith.constant dense<0.000000e+00> : vector<1xf32>
    %reduce_sum3A_23 = vector.multi_reduction <add>, %reduce_sum3A_21, %reduce_sum3A_22 [1] : vector<1x2048xf32> to vector<1xf32>
    %reduce_sum3A_24 = vector.shape_cast %reduce_sum3A_23 : vector<1xf32> to vector<1x1xf32>
    %reduce_sum3A_25 = vector.extract %reduce_sum3A_24[0, 0] : f32 from vector<1x1xf32>
    %eq3A = arith.constant 0 : i32
    %eq3A_26 = arith.cmpi eq, %arg0, %eq3A : i32
    %convert_element_type3A = arith.extui %eq3A_26 : i1 to i32
    %cond3A = arith.constant 0 : i32
    %cond3A_27 = arith.cmpi ne, %convert_element_type3A, %cond3A : i32
    scf.if %cond3A_27 {
      %swap3A_33 = arith.constant 0.000000e+00 : f32
      %swap3A_34 = arith.constant 0 : index
      %swap3A_35 = memref.load %arg4[%swap3A_34] : memref<1xf32, #tpu.memory_space<smem>>
      memref.store %swap3A_33, %arg4[%swap3A_34] : memref<1xf32, #tpu.memory_space<smem>>
    } else {
    }
    %get3A_28 = arith.constant 0 : index
    %get3A_29 = memref.load %arg4[%get3A_28] : memref<1xf32, #tpu.memory_space<smem>>
    %add3A_30 = arith.addf %get3A_29, %reduce_sum3A_25 : f32
    %swap3A_31 = arith.constant 0 : index
    %swap3A_32 = memref.load %arg4[%swap3A_31] : memref<1xf32, #tpu.memory_space<smem>>
    memref.store %add3A_30, %arg4[%swap3A_31] : memref<1xf32, #tpu.memory_space<smem>>
    return
  }
  func.func @transform_0(%arg0: i32) -> (i32, i32) {
    %c0_i32 = arith.constant 0 : i32
    %c0_i32_0 = arith.constant 0 : i32
    return %arg0, %c0_i32 : i32, i32
  }
  func.func @transform_1(%arg0: i32) -> (i32, i32) {
    %c0_i32 = arith.constant 0 : i32
    %c0_i32_0 = arith.constant 0 : i32
    %c0_i32_1 = arith.constant 0 : i32
    return %c0_i32, %c0_i32_0 : i32, i32
  }
  func.func @transform_2(%arg0: i32) -> i32 {
    %c0_i32 = arith.constant 0 : i32
    return %arg0 : i32
  }
  func.func @transform_3(%arg0: i32) -> i32 {
    %c0_i32 = arith.constant 0 : i32
    %c0_i32_0 = arith.constant 0 : i32
    return %c0_i32 : i32
  }
}

</mosaic_0001>

<sc_bundles>
// kernel: kernel.4.cloned.1.call-start
scs
__scs_entry_jumppad:
0x0: {  	(pc) =	sbr.rel $0x88, $3  }
0x1: {  	(tag) =	ssettag $0x0;
	lr =	simm.s32 $0x1  }
0x2: {  	[smem:$0x3F9F] =	sst lr;
	_ =	strace $0xD0000000  }
0x3: {  	_ = 	snop  }
0x4: {  	_ = 	snop  }
0x5: {  	_ = 	snop  }
0x6: {  	_ = 	snop  }
0x7: {  	_ = 	snop  }
__scs_overlays_trampoline_lowered:
0x8: {  	[smem:$0x3FAE] =	sst s0  }
0x9: {  	[smem:$0x3FAF] =	sst s1  }
0xa: {  	[smem:$0x3FB0] =	sst s2  }
0xb: {  	[smem:$0x3FB1] =	sst s3  }
0xc: {  	[smem:$0x3FB2] =	sst s4  }
0xd: {  	[smem:$0x3FB3] =	sst s5  }
0xe: {  	[smem:$0x3FB4] =	sst s6  }
0xf: {  	[smem:$0x3FB5] =	sst s7  }
0x10: {  	[smem:$0x3FB6] =	sst s8  }
0x11: {  	[smem:$0x3FB7] =	sst s9;
	s0 =	simm.s32 @!p0 $0x0  }
0x12: {  	s1 =	sld [smem:$0x3F9D];
	s0 =	simm.s32 @p0 $0x1  }
0x13: {  	[smem:$0x3FB8] =	sst s0;
	s0 =	simm.s32 @!p1 $0x0  }
0x14: {  	s2 =	sld [smem:$0x3F9C];
	s0 =	simm.s32 @p1 $0x1  }
0x15: {  	[smem:$0x3FB9] =	sst s0;
	s0 =	simm.s32 @!p2 $0x0  }
0x16: {  	s3 =	sld [smem:$0x3FDB];
	s0 =	simm.s32 @p2 $0x1  }
0x17: {  	s4 =	simm.s32 $0x1BF5;
	[smem:$0x3FBB] =	sst s0  }
0x18: {  	s0 =	sld [smem:$0x3F9E];
	_ =	swait.ge [sflag:s4], $0x0  }
0x19: {  	s7 =	sld [smem:$0x3F9F]  }
0x1a: {  	s8 =	sadd.s32 $0xFFFFE003, lr  }
0x1b: {  	s9 =	sadd.s32 $0xFFFFFEF7, lr;
	s5 =	simm.s32 $0xFFFFFFFF;
	p2 =	slt.u32 s8, $0xFFFFF086  }
0x1c: {  	p1 =	slt.u32 s9, $0xF7A;
	s5 =	simm.s32 @!p2 $0x0  }
0x1d: {  	s5 =	simm.s32 @p1 $0x1;
	p0 =	seq.s32 s7, s2  }
0x1e: {  	s7 =	smul.u32 @!p0 $0xF7A, s2;
	p2 =	seq.s32 @!p0 s5, $0x0  }
0x1f: {  	s9 =	smul.u32 $0xF7A, s1;
	s8 =	simm.s32 @!p0 $0x1BF5;
	p2 =	por !p2, p0  }
0x20: {  	[sflag:s8] =	ssyncset.s32 @!p0 $0xFFFFF086;
	s6 =	sadd.s32 @!p0 s3, s7;
	s7 =	simm.s32 @!p0 $0x108  }
0x21: {  	s3 =	sadd.s32 s3, s9;
	s6 =	sadd.s32 @!p0 $0x88, s6;
	s7 =	simm.s32 @p2 $0x1082  }
0x22: {  	[simem:s7], [sflag:s8] =	dma.local @!p0 [hbm:s6], $0xF7A  }
0x23: {  	s9 =	sor.u32 $0xD0000000, s2;
	s6 =	simm.s32 $0x108;
	_ =	swait.ge @!p0 [sflag:s8], $0x0  }
0x24: {  	s3 =	sadd.s32 $0x88, s3;
	s6 =	simm.s32 @!p1 $0x1082;
	[sflag:s4] =	ssyncset.s32 $0xFFFFF086  }
0x25: {  	[simem:s6], [sflag:s4] =	dma.local [hbm:s3], $0xF7A  }
0x26: {  	[smem:$0x3F9F] =	sst s1;
	(tag) =	ssettag s2;
	_ =	strace s9  }
0x27: {  	s1 =	sld [smem:$0x3FAF]  }
0x28: {  	s2 =	sld [smem:$0x3FB0]  }
0x29: {  	s4 =	sld [smem:$0x3FB2]  }
0x2a: {  	p0 =	seq.s32 s5, $0x0;
	s5 =	sld [smem:$0x3FB3]  }
0x2b: {  	s6 =	sld [smem:$0x3FB4]  }
0x2c: {  	s7 =	sld [smem:$0x3FB5]  }
0x2d: {  	s3 =	simm.s32 $0x108;
	s8 =	sld [smem:$0x3FB6]  }
0x2e: {  	s3 =	simm.s32 @!p0 $0x1082;
	s9 =	sld [smem:$0x3FB7]  }
0x2f: {  	lr =	sadd.s32 s0, s3;
	s0 =	sld [smem:$0x3FAE]  }
0x30: {  	s3 =	sld [smem:$0x3FB1]  }
0x31: {  	[smem:$0x3FBA] =	sst s10  }
0x32: {  	s10 =	sld [smem:$0x3FB8];
	_ =	sdelay $0x3  }
0x33: {  	p0 =	seq.s32 s10, $0x1;
	s10 =	sld [smem:$0x3FBA];
	_ =	sdelay $0x3  }
0x34: {  	[smem:$0x3FBA] =	sst s10  }
0x35: {  	s10 =	sld [smem:$0x3FB9];
	_ =	sdelay $0x3  }
0x36: {  	p1 =	seq.s32 s10, $0x1;
	s10 =	sld [smem:$0x3FBA];
	_ =	sdelay $0x3  }
0x37: {  	[smem:$0x3FBA] =	sst s10  }
0x38: {  	s10 =	sld [smem:$0x3FBB]  }
0x39: {  	_ = 	snop;
	(pc) =	sbr.ind lr, $3  }
0x3a: {  	_ = 	snop  }
0x3b: {  	_ = 	snop  }
0x3c: {  	p2 =	seq.s32 s10, $0x1;
	s10 =	sld [smem:$0x3FBA]  }
0x3d: {  	_ =	shalt  }
0x3e: {  	_ =	shalt  }
0x3f: {  	_ =	shalt  }
0x40: {  	_ =	shalt  }
0x41: {  	_ =	shalt  }
0x42: {  	_ =	shalt  }
0x43: {  	_ =	shalt  }
0x44: {  	_ =	shalt  }
0x45: {  	_ =	shalt  }
0x46: {  	_ =	shalt  }
0x47: {  	_ =	shalt  }
0x48: {  	_ =	shalt  }
0x49: {  	_ =	shalt  }
0x4a: {  	_ =	shalt  }
0x4b: {  	_ =	shalt  }
0x4c: {  	_ =	shalt  }
0x4d: {  	_ =	shalt  }
0x4e: {  	_ =	shalt  }
0x4f: {  	_ =	shalt  }
0x50: {  	_ =	shalt  }
0x51: {  	_ =	shalt  }
0x52: {  	_ =	shalt  }
0x53: {  	_ =	shalt  }
0x54: {  	_ =	shalt  }
0x55: {  	_ =	shalt  }
0x56: {  	_ =	shalt  }
0x57: {  	_ =	shalt  }
0x58: {  	_ =	shalt  }
0x59: {  	_ =	shalt  }
0x5a: {  	_ =	shalt  }
0x5b: {  	_ =	shalt  }
0x5c: {  	_ =	shalt  }
0x5d: {  	_ =	shalt  }
0x5e: {  	_ =	shalt  }
0x5f: {  	_ =	shalt  }
0x60: {  	_ =	shalt  }
0x61: {  	_ =	shalt  }
0x62: {  	_ =	shalt  }
0x63: {  	_ =	shalt  }
0x64: {  	_ =	shalt  }
0x65: {  	_ =	shalt  }
0x66: {  	_ =	shalt  }
0x67: {  	_ =	shalt  }
0x68: {  	_ =	shalt  }
0x69: {  	_ =	shalt  }
0x6a: {  	_ =	shalt  }
0x6b: {  	_ =	shalt  }
0x6c: {  	_ =	shalt  }
0x6d: {  	_ =	shalt  }
0x6e: {  	_ =	shalt  }
0x6f: {  	_ =	shalt  }
0x70: {  	_ =	shalt  }
0x71: {  	_ =	shalt  }
0x72: {  	_ =	shalt  }
0x73: {  	_ =	shalt  }
0x74: {  	_ =	shalt  }
0x75: {  	_ =	shalt  }
0x76: {  	_ =	shalt  }
0x77: {  	_ =	shalt  }
0x78: {  	_ =	shalt  }
0x79: {  	_ =	shalt  }
0x7a: {  	_ =	shalt  }
0x7b: {  	_ =	shalt  }
0x7c: {  	_ =	shalt  }
0x7d: {  	_ =	shalt  }
0x7e: {  	_ =	shalt  }
0x7f: {  	_ =	shalt  }
0x80: {  	_ =	shalt  }
0x81: {  	_ =	shalt  }
0x82: {  	_ =	shalt  }
0x83: {  	_ =	shalt  }
0x84: {  	_ =	shalt  }
0x85: {  	_ =	shalt  }
0x86: {  	_ =	shalt  }
0x87: {  	_ =	shalt  }
.Lfunc_end0:
.L_simem_size_0:
called_computation_lowered:
.L_overlay_start_0:
0x88: {  	s2 =	sld [smem:$0x3FD9]  }
0x89: {  	s3 =	sld [smem:$0x3FFE];
	_ =	sdelay $0x1  }
0x8a: {  	s1 =	srdreg.scid  }
0x8b: {  	s0 =	sand.u32 $0x1, s1  }
0x8c: {  	s14 =	sshll.u32 s0, $0xA;
	s2 =	sadd.s32 s3, s2  }
0x8d: {  	s2 =	sadd.s32 s2, s14  }
0x8e: {  	[smem:$0x3FC6] =	sst s2  }
0x8f: {  	_ = 	snop  }
0x90: {  	s2 =	sld [smem:$0x3FD0];
	_ =	sdelay $0x2  }
0x91: {  	s15 =	simm.s32 $0xA;
	s4 =	simm.s32 $0x10  }
0x92: {  	[smem:s4], [sflag:s15] =	dma.local [hbm:s2], $0x1  }
0x93: {  	_ =	swait.eq [sflag:s15], $0x1  }
0x94: {  	[sflag:s15] =	ssyncset.done $0x0  }
0x95: {  	[sflag:s15] =	ssyncadd.s32 $0xFFFFFFFF  }
0x96: {  	s16 =	sld [smem:$0x10];
	(tm) =	ssettm $0x1  }
0x97: {  	s17 =	sld [smem:$0x3FFB];
	_ =	sdelay $0x3  }
0x98: {  	_ =	strace s17  }
0x99: {  	s3 =	sld [smem:$0x3FFC];
	_ =	sdelay $0x3  }
0x9a: {  	_ =	strace s3  }
0x9b: {  	s3 =	sld [smem:$0x3FFD];
	_ =	sdelay $0x3  }
0x9c: {  	_ =	strace s3  }
0x9d: {  	_ =	strace $0x8FFFFFFF  }
0x9e: {  	s18 =	sld [smem:$0x3FDB];
	_ =	sdelay $0x1  }
0x9f: {  	s19 =	simm.s32 $_scs_section_size  }
0xa0: {  	s5 =	simm.s32 $_size__tile_overlayer_lowered;
	s6 =	simm.s32 $_tile_overlayer_lowered  }
0xa1: {  	s22 =	simm.s32 $0x1BFF;
	s21 =	sshll.u32 s6, $0x1;
	s3 =	sadd.s32 s19, s18  }
0xa2: {  	s7 =	simm.s32 $0x0;
	s20 =	sshll.u32 s5, $0x1;
	s5 =	sadd.s32 s21, s3  }
0xa3: {  	[timem:s7], [sflag:s22] =	dma.local [hbm:s5], s20  }
0xa4: {  	_ =	swait.ge [sflag:s22], s20  }
0xa5: {  	s4 =	ssub.s32 $0x0, s20;
	[sflag:s22] =	ssyncset.done $0x0  }
0xa6: {  	[sflag:s22] =	ssyncadd.s32 s4;
	_ =	sdelay $0x1  }
0xa7: {  	s23 =	simm.s32 $0x1B8B  }
0xa8: {  	_ =	swait.ge [sflag:s23], $0x1  }
0xa9: {  	[sflag:s23] =	ssyncset.done $0x0  }
0xaa: {  	s25 =	simm.s32 $0x1B8E;
	s24 =	sld [smem:$0x3FFE];
	[sflag:s23] =	ssyncadd.s32 $0xFFFFFFFF  }
0xab: {  	s26 =	simm.s32 $execute0_lowered;
	[smem:$0x3FD2] =	sst s25  }
0xac: {  	s5 =	sshll.u32 s26, $0x1;
	_ =	strace $0x80000046;
	[dreg:$0x1] =	wrdreg $0xFFFFFFFF  }
0xad: {  	s28 =	simm.s32 $_size_execute0_lowered;
	s3 =	sadd.s32 s3, s5;
	[dreg:$0x0] =	wrdreg $0x0  }
0xae: {  	s5 =	sshll.u32 s28, $0x1;
	[dreg:$0x2] =	wrdreg s3  }
0xaf: {  	[dreg:$0x3] =	wrdreg s5  }
0xb0: {  	[dreg:$0x4] =	wrdreg $0xC0  }
0xb1: {  	_ =	task [dreg:s7], $0x5FFFF  }
0xb2: {  	[dreg:$0x1] =	wrdreg $0xFFFFFFFF  }
0xb3: {  	[dreg:$0x0] =	wrdreg $0x60  }
0xb4: {  	[dreg:$0x2] =	wrdreg s24  }
0xb5: {  	[dreg:$0x3] =	wrdreg s16  }
0xb6: {  	[dreg:$0x4] =	wrdreg $0x9  }
0xb7: {  	_ =	task.clear_ibuf [dreg:s7], $0x5FFFF;
	_ =	strace $0x90000046  }
0xb8: {  	s29 =	simm.s32 $0x9;
	_ =	strace $0x80000048  }
0xb9: {  	_ =	swait.ge [sflag:s29], $0x1  }
0xba: {  	[sflag:s29] =	ssyncadd.s32 $0xFFFFFFFF  }
0xbb: {  	_ =	strace $0x90000048  }
0xbc: {  	_ =	sfence  }
0xbd: {  	s30 =	sld [smem:$0x0];
	_ =	sdelay $0x2  }
0xbe: {  	s31 =	sshll.u32 s1, $0xD;
	s1 =	sshrl.u32 s1, $0x2  }
0xbf: {  	s3 =	sand.u32 $0x4000, s31;
	s1 =	sadd.s32 s1, s30  }
0xc0: {  	s0 =	sor.u32 s3, s0;
	s1 =	sshll.u32 s1, $0x11  }
0xc1: {  	s0 =	sor.u32 s1, s0  }
0xc2: {  	s0 =	sadd.s32 $0x8F2B, s0  }
0xc3: {  	[sflag:s0] =	ssyncadd.remote.s32 $0x1  }
0xc4: {  	_ =	sfence.sel $0xFFFF  }
0xc5: {  	[dreg:$0x0] =	wrdreg $0xFFFFFFFF;
	(pc) =	sbr.abs _section_cstart, $3  }
0xc6: {  	[dreg:$0x1] =	wrdreg $0xFFFFFFFF  }
0xc7: {  	_ =	task.clear_ibuf [dreg:s7], $0x2FFFF;
	_ =	strace $0x9FFFFFFF  }
0xc8: {  	(tm) =	ssettm $0x7FFFFFFF  }
0xc9: {  	_ =	shalt  }
tec
execute0_lowered:
.L_overlay_start_1:
0x0: {  	(tag) =	ssettag $0x1  }
0x1: {  	s1 =	srdreg.scid  }
0x2: {  	s0 =	stileid.u32;
	s28 =	sand.u32 $0x1, s1  }
0x3: {  	s31 =	sshll.u32 s0, $0xB;
	s2 =	sshll.u32 s28, $0xA  }
0x4: {  	s5 =	rddreg [dreg:$0x0];
	s11 =	sor.u32 s2, s31  }
0x5: {  	s10 =	rddreg [dreg:$0x1];
	s2 =	simm.s32 $0x0;
	s3 =	sshrl.u32 s11, $0x3  }
0x6: {  	s4 =	simm.s32 $0x3;
	[smem:$0x7FF] =	sst s2;
	s3 =	sadd.s32 s3, s5  }
0x7: {  	s1 =	rddreg [dreg:$0x2];
	_ =	strace $0x80000047;
	s3 =	sadd.s32 $0x1A00, s3  }
0x8: {  	[tilespmem:s2], [sflag:$0x3] =	stream.linear.gather [hbm4b:s3+s2], $0x400, $0x38;
	[tilespmem:$0x8400] =	vst v63  }
0x9: {  	_ =	swait.ge [sflag:s4], $0x400  }
0xa: {  	s6 =	simm.s32 $0x80;
	[sflag:s4] =	ssyncset.done $0x0  }
0xb: {  	s7 =	simm.s32 $0x400;
	s5 =	sadd.s32 $0xA00, s5;
	[sflag:s4] =	ssyncadd.s32 $0xFFFFFC00  }
0xc: {  	[tilespmem:s7], [sflag:$0x1] =	stream.indirect.gather [hbm4b:s5+s6], $0x40, s2, s6, $0xb8;
	[tilespmem:$0x8400] =	vst v63  }
0xd: {  	s8 =	simm.s32 $0x2400;
	s9 =	simm.s32 $0x1  }
0xe: {  	[tilespmem:s8], [sflag:$0x1] =	stream.indirect.gather [hbm4b:s5+s6], $0x40, s6, s6, $0xb8;
	[tilespmem:$0x8400] =	vst v63  }
0xf: {  	_ =	swait.ge [sflag:s9], $0x2000  }
0x10: {  	s11 =	sshll.u32 s11, $0x3;
	[sflag:s9] =	ssyncset.done $0x0  }
0x11: {  	s10 =	sadd.s32 s10, s11;
	[sflag:s9] =	ssyncadd.s32 $0xFFFFE000  }
0x12: {  	[hbm4b:s10+s2] =	stream.linear.scatter [tilespmem:s7], [sflag:$0x2], $0x2000, $0x38;
	[tilespmem:$0x8400] =	vst v63  }
0x13: {  	s12 =	simm.s32 $0x4400;
	s11 =	simm.s32 $0x100  }
0x14: {  	[tilespmem:s12], [sflag:$0x1] =	stream.indirect.gather [hbm4b:s5+s6], $0x40, s11, s6, $0xb8;
	[tilespmem:$0x8400] =	vst v63  }
0x15: {  	_ =	swait.ge [sflag:s9], $0x2000  }
0x16: {  	[sflag:s9] =	ssyncset.done $0x0  }
0x17: {  	s13 =	sadd.s32 $0x400, s10;
	[sflag:s9] =	ssyncadd.s32 $0xFFFFE000  }
0x18: {  	[hbm4b:s13+s2] =	stream.linear.scatter [tilespmem:s8], [sflag:$0x2], $0x2000, $0x38;
	[tilespmem:$0x8400] =	vst v63  }
0x19: {  	s14 =	simm.s32 $0x180;
	s15 =	simm.s32 $0x6400  }
0x1a: {  	[tilespmem:s15], [sflag:$0x1] =	stream.indirect.gather [hbm4b:s5+s6], $0x40, s14, s6, $0xb8;
	[tilespmem:$0x8400] =	vst v63  }
0x1b: {  	_ =	swait.ge [sflag:s9], $0x2000  }
0x1c: {  	[sflag:s9] =	ssyncset.done $0x0  }
0x1d: {  	s16 =	simm.s32 $0x2;
	s17 =	sadd.s32 $0x800, s10;
	[sflag:s9] =	ssyncadd.s32 $0xFFFFE000  }
0x1e: {  	[hbm4b:s17+s2] =	stream.linear.scatter [tilespmem:s12], [sflag:$0x2], $0x2000, $0x38;
	[tilespmem:$0x8400] =	vst v63  }
0x1f: {  	_ =	swait.ge [sflag:s16], $0x2000  }
0x20: {  	[sflag:s16] =	ssyncset.done $0x0  }
0x21: {  	s18 =	simm.s32 $0x200;
	[sflag:s16] =	ssyncadd.s32 $0xFFFFE000  }
0x22: {  	[tilespmem:s7], [sflag:$0x1] =	stream.indirect.gather [hbm4b:s5+s6], $0x40, s18, s6, $0xb8;
	[tilespmem:$0x8400] =	vst v63  }
0x23: {  	_ =	swait.ge [sflag:s9], $0x2000  }
0x24: {  	[sflag:s9] =	ssyncset.done $0x0  }
0x25: {  	s19 =	sadd.s32 $0xC00, s10;
	[sflag:s9] =	ssyncadd.s32 $0xFFFFE000  }
0x26: {  	[hbm4b:s19+s2] =	stream.linear.scatter [tilespmem:s15], [sflag:$0x2], $0x2000, $0x38;
	[tilespmem:$0x8400] =	vst v63  }
0x27: {  	_ =	swait.ge [sflag:s16], $0x2000  }
0x28: {  	[sflag:s16] =	ssyncset.done $0x0  }
0x29: {  	s20 =	simm.s32 $0x280;
	[sflag:s16] =	ssyncadd.s32 $0xFFFFE000  }
0x2a: {  	[tilespmem:s8], [sflag:$0x1] =	stream.indirect.gather [hbm4b:s5+s6], $0x40, s20, s6, $0xb8;
	[tilespmem:$0x8400] =	vst v63  }
0x2b: {  	_ =	swait.ge [sflag:s9], $0x2000  }
0x2c: {  	[sflag:s9] =	ssyncset.done $0x0  }
0x2d: {  	s21 =	sadd.s32 $0x1000, s10;
	[sflag:s9] =	ssyncadd.s32 $0xFFFFE000  }
0x2e: {  	[hbm4b:s21+s2] =	stream.linear.scatter [tilespmem:s7], [sflag:$0x2], $0x2000, $0x38;
	[tilespmem:$0x8400] =	vst v63  }
0x2f: {  	_ =	swait.ge [sflag:s16], $0x2000  }
0x30: {  	[sflag:s16] =	ssyncset.done $0x0  }
0x31: {  	s22 =	simm.s32 $0x300;
	[sflag:s16] =	ssyncadd.s32 $0xFFFFE000  }
0x32: {  	[tilespmem:s12], [sflag:$0x1] =	stream.indirect.gather [hbm4b:s5+s6], $0x40, s22, s6, $0xb8;
	[tilespmem:$0x8400] =	vst v63  }
0x33: {  	_ =	swait.ge [sflag:s9], $0x2000  }
0x34: {  	[sflag:s9] =	ssyncset.done $0x0  }
0x35: {  	s23 =	sadd.s32 $0x1400, s10;
	[sflag:s9] =	ssyncadd.s32 $0xFFFFE000  }
0x36: {  	[hbm4b:s23+s2] =	stream.linear.scatter [tilespmem:s8], [sflag:$0x2], $0x2000, $0x38;
	[tilespmem:$0x8400] =	vst v63  }
0x37: {  	_ =	swait.ge [sflag:s16], $0x2000  }
0x38: {  	[sflag:s16] =	ssyncset.done $0x0  }
0x39: {  	s24 =	simm.s32 $0x380;
	[sflag:s16] =	ssyncadd.s32 $0xFFFFE000  }
0x3a: {  	[tilespmem:s15], [sflag:$0x1] =	stream.indirect.gather [hbm4b:s5+s6], $0x40, s24, s6, $0xb8;
	[tilespmem:$0x8400] =	vst v63  }
0x3b: {  	_ =	swait.ge [sflag:s9], $0x2000  }
0x3c: {  	[sflag:s9] =	ssyncset.done $0x0  }
0x3d: {  	s25 =	sadd.s32 $0x1800, s10;
	[sflag:s9] =	ssyncadd.s32 $0xFFFFE000  }
0x3e: {  	[hbm4b:s25+s2] =	stream.linear.scatter [tilespmem:s12], [sflag:$0x2], $0x2000, $0x38;
	[tilespmem:$0x8400] =	vst v63  }
0x3f: {  	_ =	swait.ge [sflag:s9], $0x2000  }
0x40: {  	[sflag:s9] =	ssyncset.done $0x0  }
0x41: {  	s26 =	sadd.s32 $0x1C00, s10;
	[sflag:s9] =	ssyncadd.s32 $0xFFFFE000  }
0x42: {  	[hbm4b:s26+s2] =	stream.linear.scatter [tilespmem:s15], [sflag:$0x2], $0x2000, $0x38;
	[tilespmem:$0x8400] =	vst v63  }
0x43: {  	_ =	swait.ge [sflag:s16], $0x2000  }
0x44: {  	s28 =	ssub.s32 $0x2, s28;
	[sflag:s16] =	ssyncset.done $0x0  }
0x45: {  	s29 =	sshrl.u32 s28, $0x1;
	[sflag:s16] =	ssyncadd.s32 $0xFFFFE000  }
0x46: {  	s28 =	ssub.s32 s28, s29;
	_ =	swait.ge [sflag:s16], $0x2000  }
0x47: {  	s28 =	smax.u32 s28, $0x1;
	[sflag:s16] =	ssyncset.done $0x0  }
0x48: {  	p0 =	sne.s32 s28, $0x1;
	[sflag:s16] =	ssyncadd.s32 $0xFFFFE000  }
.Ltmp0:
0x49: {  	_ =	swait.ge [sflag:s16], $0x2000;
	(pc) =	sbr.rel @!p0 .LBB2_2-.Ltmp0, $4  }
0x4a: {  	[sflag:s16] =	ssyncset.done $0x0  }
0x4b: {  	[sflag:s16] =	ssyncadd.s32 $0xFFFFE000  }
0x4c: {  	_ =	swait.ge [sflag:s16], $0x2000  }
0x4d: {  	s28 =	sadd.s32 $0xFFFFFFFF, s28;
	[sflag:s16] =	ssyncset.done $0x0  }
.LBB2_1:
0x4e: {  	p0 =	sne.s32 s28, $0x1;
	s28 =	sadd.s32 $0xFFFFFFFF, s28;
	[sflag:s16] =	ssyncadd.s32 $0xFFFFE000  }
0x4f: {  	[tilespmem:s2], [sflag:$0x3] =	stream.linear.gather [hbm4b:s3+s2], $0x400, $0x38;
	[tilespmem:$0x8400] =	vst v63  }
0x50: {  	_ =	swait.ge [sflag:s4], $0x400  }
0x51: {  	[sflag:s4] =	ssyncset.done $0x0  }
0x52: {  	[sflag:s4] =	ssyncadd.s32 $0xFFFFFC00  }
0x53: {  	[tilespmem:s7], [sflag:$0x1] =	stream.indirect.gather [hbm4b:s5+s6], $0x40, s2, s6, $0xb8;
	[tilespmem:$0x8400] =	vst v63  }
0x54: {  	_ = 	snop  }
0x55: {  	[tilespmem:s8], [sflag:$0x1] =	stream.indirect.gather [hbm4b:s5+s6], $0x40, s6, s6, $0xb8;
	[tilespmem:$0x8400] =	vst v63  }
0x56: {  	_ =	swait.ge [sflag:s9], $0x2000  }
0x57: {  	[sflag:s9] =	ssyncset.done $0x0  }
0x58: {  	[sflag:s9] =	ssyncadd.s32 $0xFFFFE000  }
0x59: {  	[hbm4b:s10+s2] =	stream.linear.scatter [tilespmem:s7], [sflag:$0x2], $0x2000, $0x38;
	[tilespmem:$0x8400] =	vst v63  }
0x5a: {  	_ = 	snop  }
0x5b: {  	[tilespmem:s12], [sflag:$0x1] =	stream.indirect.gather [hbm4b:s5+s6], $0x40, s11, s6, $0xb8;
	[tilespmem:$0x8400] =	vst v63  }
0x5c: {  	_ =	swait.ge [sflag:s9], $0x2000  }
0x5d: {  	[sflag:s9] =	ssyncset.done $0x0  }
0x5e: {  	[sflag:s9] =	ssyncadd.s32 $0xFFFFE000  }
0x5f: {  	[hbm4b:s13+s2] =	stream.linear.scatter [tilespmem:s8], [sflag:$0x2], $0x2000, $0x38;
	[tilespmem:$0x8400] =	vst v63  }
0x60: {  	_ = 	snop  }
0x61: {  	[tilespmem:s15], [sflag:$0x1] =	stream.indirect.gather [hbm4b:s5+s6], $0x40, s14, s6, $0xb8;
	[tilespmem:$0x8400] =	vst v63  }
0x62: {  	_ =	swait.ge [sflag:s9], $0x2000  }
0x63: {  	[sflag:s9] =	ssyncset.done $0x0  }
0x64: {  	[sflag:s9] =	ssyncadd.s32 $0xFFFFE000  }
0x65: {  	[hbm4b:s17+s2] =	stream.linear.scatter [tilespmem:s12], [sflag:$0x2], $0x2000, $0x38;
	[tilespmem:$0x8400] =	vst v63  }
0x66: {  	_ =	swait.ge [sflag:s16], $0x2000  }
0x67: {  	[sflag:s16] =	ssyncset.done $0x0  }
0x68: {  	[sflag:s16] =	ssyncadd.s32 $0xFFFFE000  }
0x69: {  	[tilespmem:s7], [sflag:$0x1] =	stream.indirect.gather [hbm4b:s5+s6], $0x40, s18, s6, $0xb8;
	[tilespmem:$0x8400] =	vst v63  }
0x6a: {  	_ =	swait.ge [sflag:s9], $0x2000  }
0x6b: {  	[sflag:s9] =	ssyncset.done $0x0  }
0x6c: {  	[sflag:s9] =	ssyncadd.s32 $0xFFFFE000  }
0x6d: {  	[hbm4b:s19+s2] =	stream.linear.scatter [tilespmem:s15], [sflag:$0x2], $0x2000, $0x38;
	[tilespmem:$0x8400] =	vst v63  }
0x6e: {  	_ =	swait.ge [sflag:s16], $0x2000  }
0x6f: {  	[sflag:s16] =	ssyncset.done $0x0  }
0x70: {  	[sflag:s16] =	ssyncadd.s32 $0xFFFFE000  }
0x71: {  	[tilespmem:s8], [sflag:$0x1] =	stream.indirect.gather [hbm4b:s5+s6], $0x40, s20, s6, $0xb8;
	[tilespmem:$0x8400] =	vst v63  }
0x72: {  	_ =	swait.ge [sflag:s9], $0x2000  }
0x73: {  	[sflag:s9] =	ssyncset.done $0x0  }
0x74: {  	[sflag:s9] =	ssyncadd.s32 $0xFFFFE000  }
0x75: {  	[hbm4b:s21+s2] =	stream.linear.scatter [tilespmem:s7], [sflag:$0x2], $0x2000, $0x38;
	[tilespmem:$0x8400] =	vst v63  }
0x76: {  	_ =	swait.ge [sflag:s16], $0x2000  }
0x77: {  	[sflag:s16] =	ssyncset.done $0x0  }
0x78: {  	[sflag:s16] =	ssyncadd.s32 $0xFFFFE000  }
0x79: {  	[tilespmem:s12], [sflag:$0x1] =	stream.indirect.gather [hbm4b:s5+s6], $0x40, s22, s6, $0xb8;
	[tilespmem:$0x8400] =	vst v63  }
0x7a: {  	_ =	swait.ge [sflag:s9], $0x2000  }
0x7b: {  	[sflag:s9] =	ssyncset.done $0x0  }
0x7c: {  	[sflag:s9] =	ssyncadd.s32 $0xFFFFE000  }
0x7d: {  	[hbm4b:s23+s2] =	stream.linear.scatter [tilespmem:s8], [sflag:$0x2], $0x2000, $0x38;
	[tilespmem:$0x8400] =	vst v63  }
0x7e: {  	_ =	swait.ge [sflag:s16], $0x2000  }
0x7f: {  	[sflag:s16] =	ssyncset.done $0x0  }
0x80: {  	[sflag:s16] =	ssyncadd.s32 $0xFFFFE000  }
0x81: {  	[tilespmem:s15], [sflag:$0x1] =	stream.indirect.gather [hbm4b:s5+s6], $0x40, s24, s6, $0xb8;
	[tilespmem:$0x8400] =	vst v63  }
0x82: {  	_ =	swait.ge [sflag:s9], $0x2000  }
0x83: {  	[sflag:s9] =	ssyncset.done $0x0  }
0x84: {  	[sflag:s9] =	ssyncadd.s32 $0xFFFFE000  }
0x85: {  	[hbm4b:s25+s2] =	stream.linear.scatter [tilespmem:s12], [sflag:$0x2], $0x2000, $0x38;
	[tilespmem:$0x8400] =	vst v63  }
0x86: {  	_ =	swait.ge [sflag:s9], $0x2000  }
0x87: {  	[sflag:s9] =	ssyncset.done $0x0  }
0x88: {  	[sflag:s9] =	ssyncadd.s32 $0xFFFFE000  }
0x89: {  	[hbm4b:s26+s2] =	stream.linear.scatter [tilespmem:s15], [sflag:$0x2], $0x2000, $0x38;
	[tilespmem:$0x8400] =	vst v63  }
0x8a: {  	_ =	swait.ge [sflag:s16], $0x2000  }
0x8b: {  	[sflag:s16] =	ssyncset.done $0x0  }
0x8c: {  	[sflag:s16] =	ssyncadd.s32 $0xFFFFE000  }
0x8d: {  	_ =	swait.ge [sflag:s16], $0x2000  }
0x8e: {  	[sflag:s16] =	ssyncset.done $0x0  }
0x8f: {  	[sflag:s16] =	ssyncadd.s32 $0xFFFFE000  }
.Ltmp1:
0x90: {  	_ =	swait.ge [sflag:s16], $0x2000;
	(pc) =	sbr.rel @p0 .LBB2_1-.Ltmp1, $4  }
0x91: {  	[sflag:s16] =	ssyncset.done $0x0  }
0x92: {  	[sflag:s16] =	ssyncadd.s32 $0xFFFFE000  }
0x93: {  	_ =	swait.ge [sflag:s16], $0x2000  }
0x94: {  	[sflag:s16] =	ssyncset.done $0x0  }
.LBB2_2:
0x95: {  	[sflag:s16] =	ssyncadd.s32 $0xFFFFE000  }
0x96: {  	_ =	sfence.sel $0x180000  }
0x97: {  	[bflag:$0x0] =	sbarrier.arrive $0xFFFF  }
0x98: {  	p0 =	sne.s32 s0, $0x0;
	_ =	strace $0x90000047  }
0x99: {  	s0 =	sadd.s32 @!p0 $0x100000, s1;
	[bflag:$0x2] =	sbarrier.arrive $0xFFFF  }
0x9a: {  	[sflag:s0] =	ssyncadd.tile.s32 @!p0 $0x1;
	_ =	shalt  }
.Lfunc_end2:
_tile_overlayer_lowered:
.L_overlay_start_2:
0x9b: {  	(tag) =	ssettag $0x2  }
0x9c: {  	s0 =	rddreg [dreg:$0x0];
	s2 =	stileid.u32  }
0x9d: {  	s1 =	rddreg [dreg:$0x1];
	p0 =	sne.s32 s2, $0x0  }
0x9e: {  	s3 =	rddreg [dreg:$0x2];
	[bflag:$0x3] =	sbarrier.arrive $0xFFFF;
	s2 =	simm.s32 @!p0 $0x1C03  }
0x9f: {  	[timem:s3], [sflag:s2] =	dma.local @!p0 [hbm:s0], s1  }
0xa0: {  	s0 =	simm.s32 @!p0 $0x3  }
0xa1: {  	_ =	swait.ge @!p0 [sflag:s0], s1  }
0xa2: {  	s1 =	ssub.s32 @!p0 $0x0, s1;
	[sflag:s0] =	ssyncset.done @!p0 $0x0  }
0xa3: {  	[sflag:s0] =	ssyncadd.s32 @!p0 s1  }
0xa4: {  	[bflag:$0x3] =	sbarrier.arrive $0xFFFF  }
0xa5: {  	_ =	shalt  }

</sc_bundles>
